<compile_context>
chip_gen: v7x
topology: tpu7x:2x2x1
jax: 0.10.2.dev20260603
libtpu: 0.0.44.dev20260713+nightly
codegen_flags: <defaults>
</compile_context>

<pallas_src>
import functools

import jax
import jax.numpy as jnp
from jax import lax
from jax.experimental import pallas as pl
from jax.experimental.pallas import tpu as pltpu
from jax.experimental.pallas import tpu_sc as plsc

B = 8
N = 8192
G = 512
K = 32
NCH = N // 16
GPW = G // 4
CAP = 2048


def _fps_xla(xyz, n_samples):
    Bb, Nn, _ = xyz.shape

    def body(i, state):
        dists, idxs = state
        farthest = jnp.argmax(dists, axis=1)
        idxs = idxs.at[:, i].set(farthest.astype(jnp.int32))
        pt = jnp.take_along_axis(xyz, farthest[:, None, None], axis=1)
        d = jnp.sum((xyz - pt) ** 2, axis=-1)
        dists = jnp.minimum(dists, d)
        return (dists, idxs)

    dists0 = jnp.full((Bb, Nn), 1e10, dtype=jnp.float32)
    idxs0 = jnp.zeros((Bb, n_samples), dtype=jnp.int32)
    _, idxs = lax.fori_loop(0, n_samples, body, (dists0, idxs0), unroll=4)
    return idxs


def _knn_body(xyzT_hbm, cts_hbm, nbhd_hbm,
              xv, yv, zv, cxv, cyv, czv, cd2, cidx, selv, nbv, d2v):
    cid = lax.axis_index("c")
    sid = lax.axis_index("s")
    wid = sid * 2 + cid
    b = wid // 4
    g0 = (wid % 4) * GPW

    pltpu.sync_copy(xyzT_hbm.at[0, b], xv)
    pltpu.sync_copy(xyzT_hbm.at[1, b], yv)
    pltpu.sync_copy(xyzT_hbm.at[2, b], zv)
    pltpu.sync_copy(cts_hbm.at[0, b, pl.ds(g0, GPW)], cxv)
    pltpu.sync_copy(cts_hbm.at[1, b, pl.ds(g0, GPW)], cyv)
    pltpu.sync_copy(cts_hbm.at[2, b, pl.ds(g0, GPW)], czv)

    lanes = lax.iota(jnp.int32, 16)
    inf16 = jnp.full((16,), jnp.inf, jnp.float32)
    lane0 = lanes == 0

    def row_body(gl, _):
        gsp = jnp.full((16,), gl, jnp.int32)
        cxs = plsc.load_gather(cxv, [gsp])
        cys = plsc.load_gather(cyv, [gsp])
        czs = plsc.load_gather(czv, [gsp])

        def d2_chunk(c):
            xs = xv[pl.ds(c * 16, 16)]
            ys = yv[pl.ds(c * 16, 16)]
            zs = zv[pl.ds(c * 16, 16)]
            dx = cxs - xs
            dy = cys - ys
            dz = czs - zs
            return (dx * dx + dy * dy) + dz * dz

        def p1(c, accs):
            a0, a1 = accs
            da = d2_chunk(2 * c)
            db = d2_chunk(2 * c + 1)
            d2v[pl.ds(2 * c * 16, 16)] = da
            d2v[pl.ds((2 * c + 1) * 16, 16)] = db
            return (jnp.minimum(a0, da), jnp.minimum(a1, db))

        a0, a1 = lax.fori_loop(0, NCH // 2, p1, (inf16, inf16))
        tau = jnp.max(jnp.maximum(a0, a1))

        def p2(c, cnt):
            d2 = d2v[pl.ds(c * 16, 16)]
            msk = d2 <= tau
            ones = jnp.where(msk, 1, 0)
            pos = jnp.minimum(cnt + lax.cumsum(ones) - 1, CAP - 1)
            plsc.store_scatter(cd2, [pos], d2, mask=msk)
            plsc.store_scatter(cidx, [pos], c * 16 + lanes, mask=msk)
            return cnt + jnp.sum(ones)

        cnt = lax.fori_loop(0, NCH, p2, jnp.int32(0))
        cnt = jnp.minimum(cnt, CAP - 16)
        plsc.store_scatter(cd2, [cnt + lanes], inf16)
        nch = (cnt + 15) // 16

        big = jnp.int32(2 ** 30)
        big16 = jnp.full((16,), big, jnp.int32)

        def extract(k, _):
            def scan_chunk(c, mm):
                mv, mp = mm
                v = cd2[pl.ds(c * 16, 16)]
                p = c * 16 + lanes
                lt = v < mv
                return (jnp.where(lt, v, mv), jnp.where(lt, p, mp))

            mv, mp = lax.fori_loop(0, nch, scan_chunk, (inf16, big16))
            val = jnp.min(mv)
            psel = jnp.min(jnp.where(mv == val, mp, big))
            psp = jnp.full((16,), psel, jnp.int32)
            oi = plsc.load_gather(cidx, [psp])
            plsc.store_scatter(cd2, [psp], inf16, mask=lane0)
            plsc.store_scatter(selv, [jnp.full((16,), k, jnp.int32)], oi,
                               mask=lane0)
            return 0

        lax.fori_loop(0, K, extract, 0)

        for h in range(2):
            nv = selv[pl.ds(h * 16, 16)]
            px = plsc.load_gather(xv, [nv]) - cxs
            py = plsc.load_gather(yv, [nv]) - cys
            pz = plsc.load_gather(zv, [nv]) - czs
            kidx = h * 16 + lanes
            plsc.store_scatter(nbv, [gsp, kidx, jnp.zeros((16,), jnp.int32)],
                               px)
            plsc.store_scatter(nbv, [gsp, kidx, jnp.full((16,), 1, jnp.int32)],
                               py)
            plsc.store_scatter(nbv, [gsp, kidx, jnp.full((16,), 2, jnp.int32)],
                               pz)
        return 0

    lax.fori_loop(0, GPW, row_body, 0)
    pltpu.sync_copy(nbv, nbhd_hbm.at[b, pl.ds(g0, GPW)])


_knn_sc = functools.partial(
    pl.kernel,
    out_type=jax.ShapeDtypeStruct((B, G, K, 3), jnp.float32),
    mesh=plsc.VectorSubcoreMesh(core_axis_name="c", subcore_axis_name="s"),
    compiler_params=pltpu.CompilerParams(needs_layout_passes=False,
                                         use_tc_tiling_on_sc=False),
    scratch_types=[
        pltpu.VMEM((N,), jnp.float32),
        pltpu.VMEM((N,), jnp.float32),
        pltpu.VMEM((N,), jnp.float32),
        pltpu.VMEM((GPW,), jnp.float32),
        pltpu.VMEM((GPW,), jnp.float32),
        pltpu.VMEM((GPW,), jnp.float32),
        pltpu.VMEM((CAP + 16,), jnp.float32),
        pltpu.VMEM((CAP + 16,), jnp.int32),
        pltpu.VMEM((K,), jnp.int32),
        pltpu.VMEM((GPW, K, 3), jnp.float32),
        pltpu.VMEM((N,), jnp.float32),
    ],
)(_knn_body)


@jax.jit
def kernel(xyz):
    fps_idx = _fps_xla(jax.lax.stop_gradient(xyz), G)
    center = jnp.take_along_axis(xyz, fps_idx[..., None].astype(jnp.int32),
                                 axis=1)
    xyzT = jnp.transpose(xyz, (2, 0, 1))
    cts = jnp.transpose(center, (2, 0, 1))
    nbhd = _knn_sc(xyzT, cts)
    return (nbhd, center)

# --- scband reference (transcript-rebuilt; emitter-appended) ---
"""Pipeline reference for scband-get-model-19593640804471 (READ-ONLY COPY).

The authoritative reference and input builder live on the scoring server;
editing this copy changes nothing except your own understanding.
"""

import jax, jax.numpy as jnp
import numpy as np

NUM_GROUP = 512
GROUP_SIZE = 32


def setup_inputs(seed: int = 0) -> dict:
    key = jax.random.key(seed)
    xyz = jax.random.normal(key, (8, 8192, 3), dtype=jnp.float32)
    return {"xyz": xyz}


def _fps(xyz, n_samples):
    # furthest point sampling, matches pointnet2_utils.furthest_point_sample
    # (starts from index 0, iteratively picks the point furthest from the
    #  selected set under squared euclidean distance)
    B, N, _ = xyz.shape

    def body(i, state):
        dists, idxs = state
        farthest = jnp.argmax(dists, axis=1)  # (B,)
        idxs = idxs.at[:, i].set(farthest.astype(jnp.int32))
        pt = jnp.take_along_axis(xyz, farthest[:, None, None], axis=1)  # (B,1,3)
        d = jnp.sum((xyz - pt) ** 2, axis=-1)  # (B,N)
        dists = jnp.minimum(dists, d)
        return (dists, idxs)

    dists0 = jnp.full((B, N), 1e10, dtype=jnp.float32)
    idxs0 = jnp.zeros((B, n_samples), dtype=jnp.int32)
    _, idxs = jax.lax.fori_loop(0, n_samples, body, (dists0, idxs0))
    return idxs


def reference(xyz):
    # Group.forward for feature_dim == 3 (attribute=['xyz'])
    B, N, _ = xyz.shape
    fps_idx = _fps(jax.lax.stop_gradient(xyz), NUM_GROUP)  # (B, G) int32
    center = jnp.take_along_axis(xyz, fps_idx[..., None].astype(jnp.int32), axis=1)  # (B,G,3)
    # exact KNN: squared pairwise distances center->points, take k smallest
    d2 = jnp.sum((center[:, :, None, :] - xyz[:, None, :, :]) ** 2, axis=-1)  # (B,G,N)
    _, idx = jax.lax.top_k(-d2, GROUP_SIZE)  # (B,G,K) indices of nearest neighbors
    # gather neighborhoods exactly like the torch code (flat gather with idx_base)
    idx_base = (jnp.arange(B, dtype=idx.dtype) * N)[:, None, None]
    idx_flat = (idx + idx_base).reshape(-1)
    flat = xyz.reshape(B * N, 3)
    neighborhood = jnp.take(flat, idx_flat, axis=0).reshape(B, NUM_GROUP, GROUP_SIZE, 3)
    neighborhood = neighborhood - center[:, :, None, :]
    return (neighborhood, center)

if __name__ == "__main__":
    import jax
    _d = setup_inputs()
    print(jax.jit(kernel)(*tuple(_d.values())))

</pallas_src>

<mosaic_0001>
#map = affine_map<(d0, d1) -> (0, 0, 0)>
#map1 = affine_map<(d0, d1) -> (0, 0, 0, 0)>
module attributes {stable_mosaic.version = 14 : i64} {
  func.func @_knn_body(%arg0: i32, %arg1: i32, %arg2: memref<3x8x8192xf32, #tpu.memory_space<hbm>>, %arg3: memref<3x8x512xf32, #tpu.memory_space<hbm>>, %arg4: memref<8x512x32x3xf32, #tpu.memory_space<hbm>>, %arg5: memref<8192xf32, #tpu.memory_space<vmem>>, %arg6: memref<8192xf32, #tpu.memory_space<vmem>>, %arg7: memref<8192xf32, #tpu.memory_space<vmem>>, %arg8: memref<128xf32, #tpu.memory_space<vmem>>, %arg9: memref<128xf32, #tpu.memory_space<vmem>>, %arg10: memref<128xf32, #tpu.memory_space<vmem>>, %arg11: memref<2064xf32, #tpu.memory_space<vmem>>, %arg12: memref<2064xi32, #tpu.memory_space<vmem>>, %arg13: memref<32xi32, #tpu.memory_space<vmem>>, %arg14: memref<128x32x3xf32, #tpu.memory_space<vmem>>, %arg15: memref<8192xf32, #tpu.memory_space<vmem>>) attributes {dimension_semantics = [#tpu.dimension_semantics<core_parallel>, #tpu.dimension_semantics<subcore_parallel>], iteration_bounds = array<i64: 2, 16>, scalar_prefetch = 0 : i64, scratch_operands = 11 : i64, tpu.core_type = #tpu.core_type<sc_vector_subcore>, window_params = [{transform_indices = #map}, {transform_indices = #map}, {transform_indices = #map1}]} {
    %mul3A = arith.constant 2 : i32
    %mul3A_0 = arith.muli %arg1, %mul3A : i32
    %add3A = arith.addi %mul3A_0, %arg0 : i32
    %jit3A = arith.constant 4 : i32
    %div3A = arith.divsi %add3A, %jit3A : i32
    %sign3A = arith.constant 0 : i32
    %sign3A_1 = arith.cmpi sgt, %add3A, %sign3A : i32
    %sign3A_2 = arith.extui %sign3A_1 : i1 to i32
    %sign3A_3 = arith.constant 0 : i32
    %sign3A_4 = arith.cmpi slt, %add3A, %sign3A_3 : i32
    %sign3A_5 = arith.extui %sign3A_4 : i1 to i32
    %sign3A_6 = arith.subi %sign3A_2, %sign3A_5 : i32
    %sign3A_7 = arith.constant 0 : i32
    %sign3A_8 = arith.cmpi sgt, %jit3A, %sign3A_7 : i32
    %sign3A_9 = arith.extui %sign3A_8 : i1 to i32
    %sign3A_10 = arith.constant 0 : i32
    %sign3A_11 = arith.cmpi slt, %jit3A, %sign3A_10 : i32
    %sign3A_12 = arith.extui %sign3A_11 : i1 to i32
    %sign3A_13 = arith.subi %sign3A_9, %sign3A_12 : i32
    %ne3A = arith.cmpi ne, %sign3A_6, %sign3A_13 : i32
    %rem3A = arith.remsi %add3A, %jit3A : i32
    %ne3A_14 = arith.constant 0 : i32
    %ne3A_15 = arith.cmpi ne, %rem3A, %ne3A_14 : i32
    %and3A = arith.andi %ne3A, %ne3A_15 : i1
    %sub3A = arith.constant 1 : i32
    %sub3A_16 = arith.subi %div3A, %sub3A : i32
    %select_n3A = arith.select %and3A, %sub3A_16, %div3A : i32
    %jit3A_17 = arith.constant 4 : i32
    %eq3A = arith.constant 0 : i32
    %eq3A_18 = arith.cmpi eq, %jit3A_17, %eq3A : i32
    %jit3A_19 = arith.constant 1 : i32
    %select_n3A_20 = arith.select %eq3A_18, %jit3A_19, %jit3A_17 : i32
    %rem3A_21 = arith.remsi %add3A, %select_n3A_20 : i32
    %ne3A_22 = arith.constant 0 : i32
    %ne3A_23 = arith.cmpi ne, %rem3A_21, %ne3A_22 : i32
    %lt3A = arith.constant 0 : i32
    %lt3A_24 = arith.cmpi slt, %rem3A_21, %lt3A : i32
    %lt3A_25 = arith.constant 0 : i32
    %lt3A_26 = arith.cmpi slt, %select_n3A_20, %lt3A_25 : i32
    %ne3A_27 = arith.xori %lt3A_24, %lt3A_26 : i1
    %and3A_28 = arith.andi %ne3A_27, %ne3A_23 : i1
    %add3A_29 = arith.addi %rem3A_21, %select_n3A_20 : i32
    %select_n3A_30 = arith.select %and3A_28, %add3A_29, %rem3A_21 : i32
    %mul3A_31 = arith.constant 128 : i32
    %mul3A_32 = arith.muli %select_n3A_30, %mul3A_31 : i32
    %run_scoped3A = arith.constant 0 : i32
    "tpu.region"() ({
      %run_scoped3A_48 = tpu.sem_alloc : memref<!tpu.dma_semaphore, #tpu.memory_space<semaphore_mem>>
      %dma_start3A = arith.constant 0 : i32
      %dma_start3A_49 = tpu.memref_slice %arg2[%run_scoped3A, %select_n3A, %dma_start3A] : memref<3x8x8192xf32, #tpu.memory_space<hbm>> -> memref<1x1x8192xf32, #tpu.memory_space<hbm>>
      %dma_start3A_50 = tpu.memref_squeeze %dma_start3A_49 : memref<1x1x8192xf32, #tpu.memory_space<hbm>> -> memref<8192xf32, #tpu.memory_space<hbm>>
      %dma_start3A_51 = arith.constant 0 : i32
      %dma_start3A_52 = tpu.memref_slice %arg2[%run_scoped3A, %select_n3A, %dma_start3A_51] : memref<3x8x8192xf32, #tpu.memory_space<hbm>> -> memref<1x1x8192xf32, #tpu.memory_space<hbm>>
      %dma_start3A_53 = tpu.memref_squeeze %dma_start3A_52 : memref<1x1x8192xf32, #tpu.memory_space<hbm>> -> memref<8192xf32, #tpu.memory_space<hbm>>
      tpu.enqueue_dma source(%dma_start3A_53 : memref<8192xf32, #tpu.memory_space<hbm>>) target(%arg5 : memref<8192xf32, #tpu.memory_space<vmem>>) target_semaphore(%run_scoped3A_48 : memref<!tpu.dma_semaphore, #tpu.memory_space<semaphore_mem>>)
      %dma_wait3A = arith.constant 0 : i32
      %dma_wait3A_54 = tpu.memref_slice %arg2[%run_scoped3A, %select_n3A, %dma_wait3A] : memref<3x8x8192xf32, #tpu.memory_space<hbm>> -> memref<1x1x8192xf32, #tpu.memory_space<hbm>>
      %dma_wait3A_55 = tpu.memref_squeeze %dma_wait3A_54 : memref<1x1x8192xf32, #tpu.memory_space<hbm>> -> memref<8192xf32, #tpu.memory_space<hbm>>
      %dma_wait3A_56 = arith.constant 0 : i32
      %dma_wait3A_57 = tpu.memref_slice %arg2[%run_scoped3A, %select_n3A, %dma_wait3A_56] : memref<3x8x8192xf32, #tpu.memory_space<hbm>> -> memref<1x1x8192xf32, #tpu.memory_space<hbm>>
      %dma_wait3A_58 = tpu.memref_squeeze %dma_wait3A_57 : memref<1x1x8192xf32, #tpu.memory_space<hbm>> -> memref<8192xf32, #tpu.memory_space<hbm>>
      tpu.wait_dma2 semaphore(%run_scoped3A_48 : memref<!tpu.dma_semaphore, #tpu.memory_space<semaphore_mem>>) src(%dma_wait3A_58 : memref<8192xf32, #tpu.memory_space<hbm>>) dst(%arg5 : memref<8192xf32, #tpu.memory_space<vmem>>)
      tpu.yield
    }) : () -> ()
    %run_scoped3A_33 = arith.constant 1 : i32
    "tpu.region"() ({
      %run_scoped3A_48 = tpu.sem_alloc : memref<!tpu.dma_semaphore, #tpu.memory_space<semaphore_mem>>
      %dma_start3A = arith.constant 0 : i32
      %dma_start3A_49 = tpu.memref_slice %arg2[%run_scoped3A_33, %select_n3A, %dma_start3A] : memref<3x8x8192xf32, #tpu.memory_space<hbm>> -> memref<1x1x8192xf32, #tpu.memory_space<hbm>>
      %dma_start3A_50 = tpu.memref_squeeze %dma_start3A_49 : memref<1x1x8192xf32, #tpu.memory_space<hbm>> -> memref<8192xf32, #tpu.memory_space<hbm>>
      %dma_start3A_51 = arith.constant 0 : i32
      %dma_start3A_52 = tpu.memref_slice %arg2[%run_scoped3A_33, %select_n3A, %dma_start3A_51] : memref<3x8x8192xf32, #tpu.memory_space<hbm>> -> memref<1x1x8192xf32, #tpu.memory_space<hbm>>
      %dma_start3A_53 = tpu.memref_squeeze %dma_start3A_52 : memref<1x1x8192xf32, #tpu.memory_space<hbm>> -> memref<8192xf32, #tpu.memory_space<hbm>>
      tpu.enqueue_dma source(%dma_start3A_53 : memref<8192xf32, #tpu.memory_space<hbm>>) target(%arg6 : memref<8192xf32, #tpu.memory_space<vmem>>) target_semaphore(%run_scoped3A_48 : memref<!tpu.dma_semaphore, #tpu.memory_space<semaphore_mem>>)
      %dma_wait3A = arith.constant 0 : i32
      %dma_wait3A_54 = tpu.memref_slice %arg2[%run_scoped3A_33, %select_n3A, %dma_wait3A] : memref<3x8x8192xf32, #tpu.memory_space<hbm>> -> memref<1x1x8192xf32, #tpu.memory_space<hbm>>
      %dma_wait3A_55 = tpu.memref_squeeze %dma_wait3A_54 : memref<1x1x8192xf32, #tpu.memory_space<hbm>> -> memref<8192xf32, #tpu.memory_space<hbm>>
      %dma_wait3A_56 = arith.constant 0 : i32
      %dma_wait3A_57 = tpu.memref_slice %arg2[%run_scoped3A_33, %select_n3A, %dma_wait3A_56] : memref<3x8x8192xf32, #tpu.memory_space<hbm>> -> memref<1x1x8192xf32, #tpu.memory_space<hbm>>
      %dma_wait3A_58 = tpu.memref_squeeze %dma_wait3A_57 : memref<1x1x8192xf32, #tpu.memory_space<hbm>> -> memref<8192xf32, #tpu.memory_space<hbm>>
      tpu.wait_dma2 semaphore(%run_scoped3A_48 : memref<!tpu.dma_semaphore, #tpu.memory_space<semaphore_mem>>) src(%dma_wait3A_58 : memref<8192xf32, #tpu.memory_space<hbm>>) dst(%arg6 : memref<8192xf32, #tpu.memory_space<vmem>>)
      tpu.yield
    }) : () -> ()
    %run_scoped3A_34 = arith.constant 2 : i32
    "tpu.region"() ({
      %run_scoped3A_48 = tpu.sem_alloc : memref<!tpu.dma_semaphore, #tpu.memory_space<semaphore_mem>>
      %dma_start3A = arith.constant 0 : i32
      %dma_start3A_49 = tpu.memref_slice %arg2[%run_scoped3A_34, %select_n3A, %dma_start3A] : memref<3x8x8192xf32, #tpu.memory_space<hbm>> -> memref<1x1x8192xf32, #tpu.memory_space<hbm>>
      %dma_start3A_50 = tpu.memref_squeeze %dma_start3A_49 : memref<1x1x8192xf32, #tpu.memory_space<hbm>> -> memref<8192xf32, #tpu.memory_space<hbm>>
      %dma_start3A_51 = arith.constant 0 : i32
      %dma_start3A_52 = tpu.memref_slice %arg2[%run_scoped3A_34, %select_n3A, %dma_start3A_51] : memref<3x8x8192xf32, #tpu.memory_space<hbm>> -> memref<1x1x8192xf32, #tpu.memory_space<hbm>>
      %dma_start3A_53 = tpu.memref_squeeze %dma_start3A_52 : memref<1x1x8192xf32, #tpu.memory_space<hbm>> -> memref<8192xf32, #tpu.memory_space<hbm>>
      tpu.enqueue_dma source(%dma_start3A_53 : memref<8192xf32, #tpu.memory_space<hbm>>) target(%arg7 : memref<8192xf32, #tpu.memory_space<vmem>>) target_semaphore(%run_scoped3A_48 : memref<!tpu.dma_semaphore, #tpu.memory_space<semaphore_mem>>)
      %dma_wait3A = arith.constant 0 : i32
      %dma_wait3A_54 = tpu.memref_slice %arg2[%run_scoped3A_34, %select_n3A, %dma_wait3A] : memref<3x8x8192xf32, #tpu.memory_space<hbm>> -> memref<1x1x8192xf32, #tpu.memory_space<hbm>>
      %dma_wait3A_55 = tpu.memref_squeeze %dma_wait3A_54 : memref<1x1x8192xf32, #tpu.memory_space<hbm>> -> memref<8192xf32, #tpu.memory_space<hbm>>
      %dma_wait3A_56 = arith.constant 0 : i32
      %dma_wait3A_57 = tpu.memref_slice %arg2[%run_scoped3A_34, %select_n3A, %dma_wait3A_56] : memref<3x8x8192xf32, #tpu.memory_space<hbm>> -> memref<1x1x8192xf32, #tpu.memory_space<hbm>>
      %dma_wait3A_58 = tpu.memref_squeeze %dma_wait3A_57 : memref<1x1x8192xf32, #tpu.memory_space<hbm>> -> memref<8192xf32, #tpu.memory_space<hbm>>
      tpu.wait_dma2 semaphore(%run_scoped3A_48 : memref<!tpu.dma_semaphore, #tpu.memory_space<semaphore_mem>>) src(%dma_wait3A_58 : memref<8192xf32, #tpu.memory_space<hbm>>) dst(%arg7 : memref<8192xf32, #tpu.memory_space<vmem>>)
      tpu.yield
    }) : () -> ()
    %run_scoped3A_35 = arith.constant 0 : i32
    "tpu.region"() ({
      %run_scoped3A_48 = tpu.sem_alloc : memref<!tpu.dma_semaphore, #tpu.memory_space<semaphore_mem>>
      %dma_start3A = tpu.memref_slice %arg3[%run_scoped3A_35, %select_n3A, %mul3A_32] : memref<3x8x512xf32, #tpu.memory_space<hbm>> -> memref<1x1x128xf32, #tpu.memory_space<hbm>>
      %dma_start3A_49 = tpu.memref_squeeze %dma_start3A : memref<1x1x128xf32, #tpu.memory_space<hbm>> -> memref<128xf32, #tpu.memory_space<hbm>>
      %dma_start3A_50 = tpu.memref_slice %arg3[%run_scoped3A_35, %select_n3A, %mul3A_32] : memref<3x8x512xf32, #tpu.memory_space<hbm>> -> memref<1x1x128xf32, #tpu.memory_space<hbm>>
      %dma_start3A_51 = tpu.memref_squeeze %dma_start3A_50 : memref<1x1x128xf32, #tpu.memory_space<hbm>> -> memref<128xf32, #tpu.memory_space<hbm>>
      tpu.enqueue_dma source(%dma_start3A_51 : memref<128xf32, #tpu.memory_space<hbm>>) target(%arg8 : memref<128xf32, #tpu.memory_space<vmem>>) target_semaphore(%run_scoped3A_48 : memref<!tpu.dma_semaphore, #tpu.memory_space<semaphore_mem>>)
      %dma_wait3A = tpu.memref_slice %arg3[%run_scoped3A_35, %select_n3A, %mul3A_32] : memref<3x8x512xf32, #tpu.memory_space<hbm>> -> memref<1x1x128xf32, #tpu.memory_space<hbm>>
      %dma_wait3A_52 = tpu.memref_squeeze %dma_wait3A : memref<1x1x128xf32, #tpu.memory_space<hbm>> -> memref<128xf32, #tpu.memory_space<hbm>>
      %dma_wait3A_53 = tpu.memref_slice %arg3[%run_scoped3A_35, %select_n3A, %mul3A_32] : memref<3x8x512xf32, #tpu.memory_space<hbm>> -> memref<1x1x128xf32, #tpu.memory_space<hbm>>
      %dma_wait3A_54 = tpu.memref_squeeze %dma_wait3A_53 : memref<1x1x128xf32, #tpu.memory_space<hbm>> -> memref<128xf32, #tpu.memory_space<hbm>>
      tpu.wait_dma2 semaphore(%run_scoped3A_48 : memref<!tpu.dma_semaphore, #tpu.memory_space<semaphore_mem>>) src(%dma_wait3A_54 : memref<128xf32, #tpu.memory_space<hbm>>) dst(%arg8 : memref<128xf32, #tpu.memory_space<vmem>>)
      tpu.yield
    }) : () -> ()
    %run_scoped3A_36 = arith.constant 1 : i32
    "tpu.region"() ({
      %run_scoped3A_48 = tpu.sem_alloc : memref<!tpu.dma_semaphore, #tpu.memory_space<semaphore_mem>>
      %dma_start3A = tpu.memref_slice %arg3[%run_scoped3A_36, %select_n3A, %mul3A_32] : memref<3x8x512xf32, #tpu.memory_space<hbm>> -> memref<1x1x128xf32, #tpu.memory_space<hbm>>
      %dma_start3A_49 = tpu.memref_squeeze %dma_start3A : memref<1x1x128xf32, #tpu.memory_space<hbm>> -> memref<128xf32, #tpu.memory_space<hbm>>
      %dma_start3A_50 = tpu.memref_slice %arg3[%run_scoped3A_36, %select_n3A, %mul3A_32] : memref<3x8x512xf32, #tpu.memory_space<hbm>> -> memref<1x1x128xf32, #tpu.memory_space<hbm>>
      %dma_start3A_51 = tpu.memref_squeeze %dma_start3A_50 : memref<1x1x128xf32, #tpu.memory_space<hbm>> -> memref<128xf32, #tpu.memory_space<hbm>>
      tpu.enqueue_dma source(%dma_start3A_51 : memref<128xf32, #tpu.memory_space<hbm>>) target(%arg9 : memref<128xf32, #tpu.memory_space<vmem>>) target_semaphore(%run_scoped3A_48 : memref<!tpu.dma_semaphore, #tpu.memory_space<semaphore_mem>>)
      %dma_wait3A = tpu.memref_slice %arg3[%run_scoped3A_36, %select_n3A, %mul3A_32] : memref<3x8x512xf32, #tpu.memory_space<hbm>> -> memref<1x1x128xf32, #tpu.memory_space<hbm>>
      %dma_wait3A_52 = tpu.memref_squeeze %dma_wait3A : memref<1x1x128xf32, #tpu.memory_space<hbm>> -> memref<128xf32, #tpu.memory_space<hbm>>
      %dma_wait3A_53 = tpu.memref_slice %arg3[%run_scoped3A_36, %select_n3A, %mul3A_32] : memref<3x8x512xf32, #tpu.memory_space<hbm>> -> memref<1x1x128xf32, #tpu.memory_space<hbm>>
      %dma_wait3A_54 = tpu.memref_squeeze %dma_wait3A_53 : memref<1x1x128xf32, #tpu.memory_space<hbm>> -> memref<128xf32, #tpu.memory_space<hbm>>
      tpu.wait_dma2 semaphore(%run_scoped3A_48 : memref<!tpu.dma_semaphore, #tpu.memory_space<semaphore_mem>>) src(%dma_wait3A_54 : memref<128xf32, #tpu.memory_space<hbm>>) dst(%arg9 : memref<128xf32, #tpu.memory_space<vmem>>)
      tpu.yield
    }) : () -> ()
    %run_scoped3A_37 = arith.constant 2 : i32
    "tpu.region"() ({
      %run_scoped3A_48 = tpu.sem_alloc : memref<!tpu.dma_semaphore, #tpu.memory_space<semaphore_mem>>
      %dma_start3A = tpu.memref_slice %arg3[%run_scoped3A_37, %select_n3A, %mul3A_32] : memref<3x8x512xf32, #tpu.memory_space<hbm>> -> memref<1x1x128xf32, #tpu.memory_space<hbm>>
      %dma_start3A_49 = tpu.memref_squeeze %dma_start3A : memref<1x1x128xf32, #tpu.memory_space<hbm>> -> memref<128xf32, #tpu.memory_space<hbm>>
      %dma_start3A_50 = tpu.memref_slice %arg3[%run_scoped3A_37, %select_n3A, %mul3A_32] : memref<3x8x512xf32, #tpu.memory_space<hbm>> -> memref<1x1x128xf32, #tpu.memory_space<hbm>>
      %dma_start3A_51 = tpu.memref_squeeze %dma_start3A_50 : memref<1x1x128xf32, #tpu.memory_space<hbm>> -> memref<128xf32, #tpu.memory_space<hbm>>
      tpu.enqueue_dma source(%dma_start3A_51 : memref<128xf32, #tpu.memory_space<hbm>>) target(%arg10 : memref<128xf32, #tpu.memory_space<vmem>>) target_semaphore(%run_scoped3A_48 : memref<!tpu.dma_semaphore, #tpu.memory_space<semaphore_mem>>)
      %dma_wait3A = tpu.memref_slice %arg3[%run_scoped3A_37, %select_n3A, %mul3A_32] : memref<3x8x512xf32, #tpu.memory_space<hbm>> -> memref<1x1x128xf32, #tpu.memory_space<hbm>>
      %dma_wait3A_52 = tpu.memref_squeeze %dma_wait3A : memref<1x1x128xf32, #tpu.memory_space<hbm>> -> memref<128xf32, #tpu.memory_space<hbm>>
      %dma_wait3A_53 = tpu.memref_slice %arg3[%run_scoped3A_37, %select_n3A, %mul3A_32] : memref<3x8x512xf32, #tpu.memory_space<hbm>> -> memref<1x1x128xf32, #tpu.memory_space<hbm>>
      %dma_wait3A_54 = tpu.memref_squeeze %dma_wait3A_53 : memref<1x1x128xf32, #tpu.memory_space<hbm>> -> memref<128xf32, #tpu.memory_space<hbm>>
      tpu.wait_dma2 semaphore(%run_scoped3A_48 : memref<!tpu.dma_semaphore, #tpu.memory_space<semaphore_mem>>) src(%dma_wait3A_54 : memref<128xf32, #tpu.memory_space<hbm>>) dst(%arg10 : memref<128xf32, #tpu.memory_space<vmem>>)
      tpu.yield
    }) : () -> ()
    %iota3A = tpu.iota {dimensions = array<i32: 0>} : vector<16xi32>
    %broadcast_in_dim3A = arith.constant 0x7F800000 : f32
    %broadcast_in_dim3A_38 = vector.broadcast %broadcast_in_dim3A : f32 to vector<16xf32>
    %eq3A_39 = arith.constant 0 : i32
    %eq3A_40 = vector.broadcast %eq3A_39 : i32 to vector<16xi32>
    %eq3A_41 = arith.cmpi eq, %iota3A, %eq3A_40 : vector<16xi32>
    %scan3A = arith.constant 0 : i32
    %scan3A_42 = arith.constant 0 : i32
    %scan3A_43 = arith.constant 128 : i32
    %scan3A_44 = arith.addi %scan3A_42, %scan3A_43 : i32
    %scan3A_45 = arith.constant 1 : i32
    %scan3A_46 = scf.for %scan3A_48 = %scan3A_42 to %scan3A_44 step %scan3A_45 iter_args(%scan3A_49 = %scan3A) -> (i32)  : i32 {
      %broadcast_in_dim3A_50 = vector.broadcast %scan3A_48 : i32 to vector<16xi32>
      %gather3A = tpu.vector_load_idx %arg8[%broadcast_in_dim3A_50] : memref<128xf32, #tpu.memory_space<vmem>>[vector<16xi32>], vector<16xf32>,
      %gather3A_51 = tpu.vector_load_idx %arg9[%broadcast_in_dim3A_50] : memref<128xf32, #tpu.memory_space<vmem>>[vector<16xi32>], vector<16xf32>,
      %gather3A_52 = tpu.vector_load_idx %arg10[%broadcast_in_dim3A_50] : memref<128xf32, #tpu.memory_space<vmem>>[vector<16xi32>], vector<16xf32>,
      %scan3A_53 = arith.constant 0 : i32
      %scan3A_54 = arith.constant 256 : i32
      %scan3A_55 = arith.addi %scan3A_53, %scan3A_54 : i32
      %scan3A_56 = arith.constant 1 : i32
      %scan3A_57:2 = scf.for %scan3A_142 = %scan3A_53 to %scan3A_55 step %scan3A_56 iter_args(%scan3A_143 = %broadcast_in_dim3A_38, %scan3A_144 = %broadcast_in_dim3A_38) -> (vector<16xf32>, vector<16xf32>)  : i32 {
        %mul3A_145 = arith.constant 2 : i32
        %mul3A_146 = arith.muli %mul3A_145, %scan3A_142 : i32
        %mul3A_147 = arith.constant 16 : i32
        %mul3A_148 = arith.muli %mul3A_146, %mul3A_147 : i32
        %get3A_149 = arith.index_cast %mul3A_148 : i32 to index
        %get3A_150 = tpu.vector_load %arg5[%get3A_149] {strides = array<i32>} : memref<8192xf32, #tpu.memory_space<vmem>>, vector<16xf32>,
        %mul3A_151 = arith.constant 16 : i32
        %mul3A_152 = arith.muli %mul3A_146, %mul3A_151 : i32
        %get3A_153 = arith.index_cast %mul3A_152 : i32 to index
        %get3A_154 = tpu.vector_load %arg6[%get3A_153] {strides = array<i32>} : memref<8192xf32, #tpu.memory_space<vmem>>, vector<16xf32>,
        %mul3A_155 = arith.constant 16 : i32
        %mul3A_156 = arith.muli %mul3A_146, %mul3A_155 : i32
        %get3A_157 = arith.index_cast %mul3A_156 : i32 to index
        %get3A_158 = tpu.vector_load %arg7[%get3A_157] {strides = array<i32>} : memref<8192xf32, #tpu.memory_space<vmem>>, vector<16xf32>,
        %sub3A_159 = arith.subf %gather3A, %get3A_150 : vector<16xf32>
        %sub3A_160 = arith.subf %gather3A_51, %get3A_154 : vector<16xf32>
        %sub3A_161 = arith.subf %gather3A_52, %get3A_158 : vector<16xf32>
        %mul3A_162 = arith.mulf %sub3A_159, %sub3A_159 : vector<16xf32>
        %mul3A_163 = arith.mulf %sub3A_160, %sub3A_160 : vector<16xf32>
        %add3A_164 = arith.addf %mul3A_162, %mul3A_163 : vector<16xf32>
        %mul3A_165 = arith.mulf %sub3A_161, %sub3A_161 : vector<16xf32>
        %add3A_166 = arith.addf %add3A_164, %mul3A_165 : vector<16xf32>
        %mul3A_167 = arith.constant 2 : i32
        %mul3A_168 = arith.muli %mul3A_167, %scan3A_142 : i32
        %add3A_169 = arith.constant 1 : i32
        %add3A_170 = arith.addi %mul3A_168, %add3A_169 : i32
        %mul3A_171 = arith.constant 16 : i32
        %mul3A_172 = arith.muli %add3A_170, %mul3A_171 : i32
        %get3A_173 = arith.index_cast %mul3A_172 : i32 to index
        %get3A_174 = tpu.vector_load %arg5[%get3A_173] {strides = array<i32>} : memref<8192xf32, #tpu.memory_space<vmem>>, vector<16xf32>,
        %mul3A_175 = arith.constant 16 : i32
        %mul3A_176 = arith.muli %add3A_170, %mul3A_175 : i32
        %get3A_177 = arith.index_cast %mul3A_176 : i32 to index
        %get3A_178 = tpu.vector_load %arg6[%get3A_177] {strides = array<i32>} : memref<8192xf32, #tpu.memory_space<vmem>>, vector<16xf32>,
        %mul3A_179 = arith.constant 16 : i32
        %mul3A_180 = arith.muli %add3A_170, %mul3A_179 : i32
        %get3A_181 = arith.index_cast %mul3A_180 : i32 to index
        %get3A_182 = tpu.vector_load %arg7[%get3A_181] {strides = array<i32>} : memref<8192xf32, #tpu.memory_space<vmem>>, vector<16xf32>,
        %sub3A_183 = arith.subf %gather3A, %get3A_174 : vector<16xf32>
        %sub3A_184 = arith.subf %gather3A_51, %get3A_178 : vector<16xf32>
        %sub3A_185 = arith.subf %gather3A_52, %get3A_182 : vector<16xf32>
        %mul3A_186 = arith.mulf %sub3A_183, %sub3A_183 : vector<16xf32>
        %mul3A_187 = arith.mulf %sub3A_184, %sub3A_184 : vector<16xf32>
        %add3A_188 = arith.addf %mul3A_186, %mul3A_187 : vector<16xf32>
        %mul3A_189 = arith.mulf %sub3A_185, %sub3A_185 : vector<16xf32>
        %add3A_190 = arith.addf %add3A_188, %mul3A_189 : vector<16xf32>
        %mul3A_191 = arith.constant 2 : i32
        %mul3A_192 = arith.muli %mul3A_191, %scan3A_142 : i32
        %mul3A_193 = arith.constant 16 : i32
        %mul3A_194 = arith.muli %mul3A_192, %mul3A_193 : i32
        %swap3A = arith.index_cast %mul3A_194 : i32 to index
        %swap3A_195 = tpu.vector_load %arg15[%swap3A] {strides = array<i32>} : memref<8192xf32, #tpu.memory_space<vmem>>, vector<16xf32>,
        tpu.vector_store %arg15[%swap3A], %add3A_166 {strides = array<i32>} : memref<8192xf32, #tpu.memory_space<vmem>>, vector<16xf32>,
        %mul3A_196 = arith.constant 2 : i32
        %mul3A_197 = arith.muli %mul3A_196, %scan3A_142 : i32
        %add3A_198 = arith.constant 1 : i32
        %add3A_199 = arith.addi %mul3A_197, %add3A_198 : i32
        %mul3A_200 = arith.constant 16 : i32
        %mul3A_201 = arith.muli %add3A_199, %mul3A_200 : i32
        %swap3A_202 = arith.index_cast %mul3A_201 : i32 to index
        %swap3A_203 = tpu.vector_load %arg15[%swap3A_202] {strides = array<i32>} : memref<8192xf32, #tpu.memory_space<vmem>>, vector<16xf32>,
        tpu.vector_store %arg15[%swap3A_202], %add3A_190 {strides = array<i32>} : memref<8192xf32, #tpu.memory_space<vmem>>, vector<16xf32>,
        %min3A_204 = arith.minimumf %scan3A_143, %add3A_166 : vector<16xf32>
        %min3A_205 = arith.minimumf %scan3A_144, %add3A_190 : vector<16xf32>
        scf.yield %min3A_204, %min3A_205 : vector<16xf32>, vector<16xf32>
      }
      %scan3A_58 = arith.constant 256 : i32
      %max3A = arith.maximumf %scan3A_57#0, %scan3A_57#1 : vector<16xf32>
      %reduce_max3A = arith.constant true
      %reduce_max3A_59 = vector.broadcast %reduce_max3A : i1 to vector<16xi1>
      %reduce_max3A_60 = tpu.scan <max>, %max3A masked %reduce_max3A_59 : vector<16xf32>, vector<16xi1> -> vector<16xf32>
      %reduce_max3A_61 = vector.extract %reduce_max3A_60[15] : f32 from vector<16xf32>
      %scan3A_62 = arith.constant 0 : i32
      %scan3A_63 = arith.constant 0 : i32
      %scan3A_64 = arith.constant 512 : i32
      %scan3A_65 = arith.addi %scan3A_63, %scan3A_64 : i32
      %scan3A_66 = arith.constant 1 : i32
      %scan3A_67 = scf.for %scan3A_142 = %scan3A_63 to %scan3A_65 step %scan3A_66 iter_args(%scan3A_143 = %scan3A_62) -> (i32)  : i32 {
        %mul3A_144 = arith.constant 16 : i32
        %mul3A_145 = arith.muli %scan3A_142, %mul3A_144 : i32
        %get3A_146 = arith.index_cast %mul3A_145 : i32 to index
        %get3A_147 = tpu.vector_load %arg15[%get3A_146] {strides = array<i32>} : memref<8192xf32, #tpu.memory_space<vmem>>, vector<16xf32>,
        %le3A = vector.broadcast %reduce_max3A_61 : f32 to vector<16xf32>
        %le3A_148 = arith.cmpf ole, %get3A_147, %le3A : vector<16xf32>
        %jit3A_149 = arith.constant 1 : i32
        %jit3A_150 = arith.constant 0 : i32
        %broadcast_in_dim3A_151 = vector.broadcast %jit3A_149 : i32 to vector<16xi32>
        %broadcast_in_dim3A_152 = vector.broadcast %jit3A_150 : i32 to vector<16xi32>
        %select_n3A_153 = arith.select %le3A_148, %broadcast_in_dim3A_151, %broadcast_in_dim3A_152 : vector<16xi1>, vector<16xi32>
        %cumsum3A = arith.constant true
        %cumsum3A_154 = vector.broadcast %cumsum3A : i1 to vector<16xi1>
        %cumsum3A_155 = tpu.scan <sum>, %select_n3A_153 masked %cumsum3A_154 : vector<16xi32>, vector<16xi1> -> vector<16xi32>
        %add3A_156 = vector.broadcast %scan3A_143 : i32 to vector<16xi32>
        %add3A_157 = arith.addi %add3A_156, %cumsum3A_155 : vector<16xi32>
        %sub3A_158 = arith.constant 1 : i32
        %sub3A_159 = vector.broadcast %sub3A_158 : i32 to vector<16xi32>
        %sub3A_160 = arith.subi %add3A_157, %sub3A_159 : vector<16xi32>
        %min3A_161 = arith.constant 2047 : i32
        %min3A_162 = vector.broadcast %min3A_161 : i32 to vector<16xi32>
        %min3A_163 = arith.minsi %sub3A_160, %min3A_162 : vector<16xi32>
        tpu.vector_store_idx %arg11[%min3A_163], %get3A_147 masked %le3A_148 : memref<2064xf32, #tpu.memory_space<vmem>>[vector<16xi32>], vector<16xf32>, vector<16xi1>
        %mul3A_164 = arith.constant 16 : i32
        %mul3A_165 = arith.muli %scan3A_142, %mul3A_164 : i32
        %add3A_166 = vector.broadcast %mul3A_165 : i32 to vector<16xi32>
        %add3A_167 = arith.addi %add3A_166, %iota3A : vector<16xi32>
        tpu.vector_store_idx %arg12[%min3A_163], %add3A_167 masked %le3A_148 : memref<2064xi32, #tpu.memory_space<vmem>>[vector<16xi32>], vector<16xi32>, vector<16xi1>
        %reduce_sum3A = arith.constant true
        %reduce_sum3A_168 = vector.broadcast %reduce_sum3A : i1 to vector<16xi1>
        %reduce_sum3A_169 = tpu.scan <sum>, %select_n3A_153 masked %reduce_sum3A_168 : vector<16xi32>, vector<16xi1> -> vector<16xi32>
        %reduce_sum3A_170 = vector.extract %reduce_sum3A_169[15] : i32 from vector<16xi32>
        %add3A_171 = arith.addi %scan3A_143, %reduce_sum3A_170 : i32
        scf.yield %add3A_171 : i32
      }
      %scan3A_68 = arith.constant 512 : i32
      %min3A = arith.constant 2032 : i32
      %min3A_69 = arith.minsi %scan3A_67, %min3A : i32
      %add3A_70 = vector.broadcast %min3A_69 : i32 to vector<16xi32>
      %add3A_71 = arith.addi %add3A_70, %iota3A : vector<16xi32>
      tpu.vector_store_idx %arg11[%add3A_71], %broadcast_in_dim3A_38 : memref<2064xf32, #tpu.memory_space<vmem>>[vector<16xi32>], vector<16xf32>,
      %add3A_72 = arith.constant 15 : i32
      %add3A_73 = arith.addi %min3A_69, %add3A_72 : i32
      %jit3A_74 = arith.constant 16 : i32
      %div3A_75 = arith.divsi %add3A_73, %jit3A_74 : i32
      %sign3A_76 = arith.constant 0 : i32
      %sign3A_77 = arith.cmpi sgt, %add3A_73, %sign3A_76 : i32
      %sign3A_78 = arith.extui %sign3A_77 : i1 to i32
      %sign3A_79 = arith.constant 0 : i32
      %sign3A_80 = arith.cmpi slt, %add3A_73, %sign3A_79 : i32
      %sign3A_81 = arith.extui %sign3A_80 : i1 to i32
      %sign3A_82 = arith.subi %sign3A_78, %sign3A_81 : i32
      %sign3A_83 = arith.constant 0 : i32
      %sign3A_84 = arith.cmpi sgt, %jit3A_74, %sign3A_83 : i32
      %sign3A_85 = arith.extui %sign3A_84 : i1 to i32
      %sign3A_86 = arith.constant 0 : i32
      %sign3A_87 = arith.cmpi slt, %jit3A_74, %sign3A_86 : i32
      %sign3A_88 = arith.extui %sign3A_87 : i1 to i32
      %sign3A_89 = arith.subi %sign3A_85, %sign3A_88 : i32
      %ne3A_90 = arith.cmpi ne, %sign3A_82, %sign3A_89 : i32
      %rem3A_91 = arith.remsi %add3A_73, %jit3A_74 : i32
      %ne3A_92 = arith.constant 0 : i32
      %ne3A_93 = arith.cmpi ne, %rem3A_91, %ne3A_92 : i32
      %and3A_94 = arith.andi %ne3A_90, %ne3A_93 : i1
      %sub3A_95 = arith.constant 1 : i32
      %sub3A_96 = arith.subi %div3A_75, %sub3A_95 : i32
      %select_n3A_97 = arith.select %and3A_94, %sub3A_96, %div3A_75 : i32
      %broadcast_in_dim3A_98 = arith.constant 1073741824 : i32
      %broadcast_in_dim3A_99 = vector.broadcast %broadcast_in_dim3A_98 : i32 to vector<16xi32>
      %scan3A_100 = arith.constant 1073741824 : i32
      %scan3A_101 = arith.constant 0 : i32
      %scan3A_102 = arith.constant 0 : i32
      %scan3A_103 = arith.constant 32 : i32
      %scan3A_104 = arith.addi %scan3A_102, %scan3A_103 : i32
      %scan3A_105 = arith.constant 1 : i32
      %scan3A_106 = scf.for %scan3A_142 = %scan3A_102 to %scan3A_104 step %scan3A_105 iter_args(%scan3A_143 = %scan3A_101) -> (i32)  : i32 {
        %while3A = arith.constant 0 : i32
        %while3A_144 = arith.subi %select_n3A_97, %while3A : i32
        %while3A_145 = arith.addi %while3A, %while3A_144 : i32
        %while3A_146 = arith.constant 1 : i32
        %while3A_147 = arith.divsi %while3A_144, %while3A_146 : i32
        %while3A_148 = arith.muli %while3A_147, %while3A_146 : i32
        %while3A_149 = arith.addi %while3A, %while3A_148 : i32
        %while3A_150 = arith.constant 1 : i32
        %while3A_151:2 = scf.for %while3A_173 = %while3A to %while3A_149 step %while3A_150 iter_args(%while3A_174 = %broadcast_in_dim3A_38, %while3A_175 = %broadcast_in_dim3A_99) -> (vector<16xf32>, vector<16xi32>)  : i32 {
          %mul3A_176 = arith.constant 16 : i32
          %mul3A_177 = arith.muli %while3A_173, %mul3A_176 : i32
          %get3A_178 = arith.index_cast %mul3A_177 : i32 to index
          %get3A_179 = tpu.vector_load %arg11[%get3A_178] {strides = array<i32>} : memref<2064xf32, #tpu.memory_space<vmem>>, vector<16xf32>,
          %mul3A_180 = arith.constant 16 : i32
          %mul3A_181 = arith.muli %while3A_173, %mul3A_180 : i32
          %add3A_182 = vector.broadcast %mul3A_181 : i32 to vector<16xi32>
          %add3A_183 = arith.addi %add3A_182, %iota3A : vector<16xi32>
          %lt3A_184 = arith.cmpf olt, %get3A_179, %while3A_174 : vector<16xf32>
          %select_n3A_185 = arith.select %lt3A_184, %get3A_179, %while3A_174 : vector<16xi1>, vector<16xf32>
          %select_n3A_186 = arith.select %lt3A_184, %add3A_183, %while3A_175 : vector<16xi1>, vector<16xi32>
          scf.yield %select_n3A_185, %select_n3A_186 : vector<16xf32>, vector<16xi32>
        }
        %while3A_152 = arith.constant 1 : i32
        %while3A_153:2 = scf.for %while3A_173 = %while3A_149 to %while3A_145 step %while3A_152 iter_args(%while3A_174 = %while3A_151#0, %while3A_175 = %while3A_151#1) -> (vector<16xf32>, vector<16xi32>)  : i32 {
          %mul3A_176 = arith.constant 16 : i32
          %mul3A_177 = arith.muli %while3A_173, %mul3A_176 : i32
          %get3A_178 = arith.index_cast %mul3A_177 : i32 to index
          %get3A_179 = tpu.vector_load %arg11[%get3A_178] {strides = array<i32>} : memref<2064xf32, #tpu.memory_space<vmem>>, vector<16xf32>,
          %mul3A_180 = arith.constant 16 : i32
          %mul3A_181 = arith.muli %while3A_173, %mul3A_180 : i32
          %add3A_182 = vector.broadcast %mul3A_181 : i32 to vector<16xi32>
          %add3A_183 = arith.addi %add3A_182, %iota3A : vector<16xi32>
          %lt3A_184 = arith.cmpf olt, %get3A_179, %while3A_174 : vector<16xf32>
          %select_n3A_185 = arith.select %lt3A_184, %get3A_179, %while3A_174 : vector<16xi1>, vector<16xf32>
          %select_n3A_186 = arith.select %lt3A_184, %add3A_183, %while3A_175 : vector<16xi1>, vector<16xi32>
          scf.yield %select_n3A_185, %select_n3A_186 : vector<16xf32>, vector<16xi32>
        }
        %reduce_min3A = arith.constant true
        %reduce_min3A_154 = vector.broadcast %reduce_min3A : i1 to vector<16xi1>
        %reduce_min3A_155 = tpu.scan <min>, %while3A_153#0 masked %reduce_min3A_154 : vector<16xf32>, vector<16xi1> -> vector<16xf32>
        %reduce_min3A_156 = vector.extract %reduce_min3A_155[15] : f32 from vector<16xf32>
        %eq3A_157 = vector.broadcast %reduce_min3A_156 : f32 to vector<16xf32>
        %eq3A_158 = arith.cmpf oeq, %while3A_153#0, %eq3A_157 : vector<16xf32>
        %broadcast_in_dim3A_159 = vector.broadcast %scan3A_100 : i32 to vector<16xi32>
        %select_n3A_160 = arith.select %eq3A_158, %while3A_153#1, %broadcast_in_dim3A_159 : vector<16xi1>, vector<16xi32>
        %reduce_min3A_161 = arith.constant true
        %reduce_min3A_162 = vector.broadcast %reduce_min3A_161 : i1 to vector<16xi1>
        %reduce_min3A_163 = arith.constant -2147483648 : i32
        %reduce_min3A_164 = vector.broadcast %reduce_min3A_163 : i32 to vector<16xi32>
        %reduce_min3A_165 = arith.xori %select_n3A_160, %reduce_min3A_164 : vector<16xi32>
        %reduce_min3A_166 = tpu.scan <min>, %reduce_min3A_165 masked %reduce_min3A_162 : vector<16xi32>, vector<16xi1> -> vector<16xi32>
        %reduce_min3A_167 = arith.xori %reduce_min3A_166, %reduce_min3A_164 : vector<16xi32>
        %reduce_min3A_168 = vector.extract %reduce_min3A_167[15] : i32 from vector<16xi32>
        %broadcast_in_dim3A_169 = vector.broadcast %reduce_min3A_168 : i32 to vector<16xi32>
        %gather3A_170 = tpu.vector_load_idx %arg12[%broadcast_in_dim3A_169] : memref<2064xi32, #tpu.memory_space<vmem>>[vector<16xi32>], vector<16xi32>,
        tpu.vector_store_idx %arg11[%broadcast_in_dim3A_169], %broadcast_in_dim3A_38 masked %eq3A_41 : memref<2064xf32, #tpu.memory_space<vmem>>[vector<16xi32>], vector<16xf32>, vector<16xi1>
        %broadcast_in_dim3A_171 = vector.broadcast %scan3A_142 : i32 to vector<16xi32>
        tpu.vector_store_idx %arg13[%broadcast_in_dim3A_171], %gather3A_170 masked %eq3A_41 : memref<32xi32, #tpu.memory_space<vmem>>[vector<16xi32>], vector<16xi32>, vector<16xi1>
        %scan3A_172 = arith.constant 0 : i32
        scf.yield %scan3A_172 : i32
      }
      %scan3A_107 = arith.constant 32 : i32
      %get3A = arith.constant 0 : index
      %get3A_108 = tpu.vector_load %arg13[%get3A] {strides = array<i32>} : memref<32xi32, #tpu.memory_space<vmem>>, vector<16xi32>,
      %gather3A_109 = tpu.vector_load_idx %arg5[%get3A_108] : memref<8192xf32, #tpu.memory_space<vmem>>[vector<16xi32>], vector<16xf32>,
      %sub3A_110 = arith.subf %gather3A_109, %gather3A : vector<16xf32>
      %gather3A_111 = tpu.vector_load_idx %arg6[%get3A_108] : memref<8192xf32, #tpu.memory_space<vmem>>[vector<16xi32>], vector<16xf32>,
      %sub3A_112 = arith.subf %gather3A_111, %gather3A_51 : vector<16xf32>
      %gather3A_113 = tpu.vector_load_idx %arg7[%get3A_108] : memref<8192xf32, #tpu.memory_space<vmem>>[vector<16xi32>], vector<16xf32>,
      %sub3A_114 = arith.subf %gather3A_113, %gather3A_52 : vector<16xf32>
      %add3A_115 = arith.constant 0 : i32
      %add3A_116 = vector.broadcast %add3A_115 : i32 to vector<16xi32>
      %add3A_117 = arith.addi %add3A_116, %iota3A : vector<16xi32>
      %broadcast_in_dim3A_118 = arith.constant 0 : i32
      %broadcast_in_dim3A_119 = vector.broadcast %broadcast_in_dim3A_118 : i32 to vector<16xi32>
      tpu.vector_store_idx %arg14[%broadcast_in_dim3A_50, %add3A_117, %broadcast_in_dim3A_119], %sub3A_110 : memref<128x32x3xf32, #tpu.memory_space<vmem>>[vector<16xi32>, vector<16xi32>, vector<16xi32>], vector<16xf32>,
      %broadcast_in_dim3A_120 = arith.constant 1 : i32
      %broadcast_in_dim3A_121 = vector.broadcast %broadcast_in_dim3A_120 : i32 to vector<16xi32>
      tpu.vector_store_idx %arg14[%broadcast_in_dim3A_50, %add3A_117, %broadcast_in_dim3A_121], %sub3A_112 : memref<128x32x3xf32, #tpu.memory_space<vmem>>[vector<16xi32>, vector<16xi32>, vector<16xi32>], vector<16xf32>,
      %broadcast_in_dim3A_122 = arith.constant 2 : i32
      %broadcast_in_dim3A_123 = vector.broadcast %broadcast_in_dim3A_122 : i32 to vector<16xi32>
      tpu.vector_store_idx %arg14[%broadcast_in_dim3A_50, %add3A_117, %broadcast_in_dim3A_123], %sub3A_114 : memref<128x32x3xf32, #tpu.memory_space<vmem>>[vector<16xi32>, vector<16xi32>, vector<16xi32>], vector<16xf32>,
      %get3A_124 = arith.constant 16 : index
      %get3A_125 = tpu.vector_load %arg13[%get3A_124] {strides = array<i32>} : memref<32xi32, #tpu.memory_space<vmem>>, vector<16xi32>,
      %gather3A_126 = tpu.vector_load_idx %arg5[%get3A_125] : memref<8192xf32, #tpu.memory_space<vmem>>[vector<16xi32>], vector<16xf32>,
      %sub3A_127 = arith.subf %gather3A_126, %gather3A : vector<16xf32>
      %gather3A_128 = tpu.vector_load_idx %arg6[%get3A_125] : memref<8192xf32, #tpu.memory_space<vmem>>[vector<16xi32>], vector<16xf32>,
      %sub3A_129 = arith.subf %gather3A_128, %gather3A_51 : vector<16xf32>
      %gather3A_130 = tpu.vector_load_idx %arg7[%get3A_125] : memref<8192xf32, #tpu.memory_space<vmem>>[vector<16xi32>], vector<16xf32>,
      %sub3A_131 = arith.subf %gather3A_130, %gather3A_52 : vector<16xf32>
      %add3A_132 = arith.constant 16 : i32
      %add3A_133 = vector.broadcast %add3A_132 : i32 to vector<16xi32>
      %add3A_134 = arith.addi %add3A_133, %iota3A : vector<16xi32>
      %broadcast_in_dim3A_135 = arith.constant 0 : i32
      %broadcast_in_dim3A_136 = vector.broadcast %broadcast_in_dim3A_135 : i32 to vector<16xi32>
      tpu.vector_store_idx %arg14[%broadcast_in_dim3A_50, %add3A_134, %broadcast_in_dim3A_136], %sub3A_127 : memref<128x32x3xf32, #tpu.memory_space<vmem>>[vector<16xi32>, vector<16xi32>, vector<16xi32>], vector<16xf32>,
      %broadcast_in_dim3A_137 = arith.constant 1 : i32
      %broadcast_in_dim3A_138 = vector.broadcast %broadcast_in_dim3A_137 : i32 to vector<16xi32>
      tpu.vector_store_idx %arg14[%broadcast_in_dim3A_50, %add3A_134, %broadcast_in_dim3A_138], %sub3A_129 : memref<128x32x3xf32, #tpu.memory_space<vmem>>[vector<16xi32>, vector<16xi32>, vector<16xi32>], vector<16xf32>,
      %broadcast_in_dim3A_139 = arith.constant 2 : i32
      %broadcast_in_dim3A_140 = vector.broadcast %broadcast_in_dim3A_139 : i32 to vector<16xi32>
      tpu.vector_store_idx %arg14[%broadcast_in_dim3A_50, %add3A_134, %broadcast_in_dim3A_140], %sub3A_131 : memref<128x32x3xf32, #tpu.memory_space<vmem>>[vector<16xi32>, vector<16xi32>, vector<16xi32>], vector<16xf32>,
      %scan3A_141 = arith.constant 0 : i32
      scf.yield %scan3A_141 : i32
    }
    %scan3A_47 = arith.constant 128 : i32
    "tpu.region"() ({
      %run_scoped3A_48 = tpu.sem_alloc : memref<!tpu.dma_semaphore, #tpu.memory_space<semaphore_mem>>
      %dma_start3A = arith.constant 0 : i32
      %dma_start3A_49 = arith.constant 0 : i32
      %dma_start3A_50 = tpu.memref_slice %arg4[%select_n3A, %mul3A_32, %dma_start3A, %dma_start3A_49] : memref<8x512x32x3xf32, #tpu.memory_space<hbm>> -> memref<1x128x32x3xf32, #tpu.memory_space<hbm>>
      %dma_start3A_51 = tpu.memref_squeeze %dma_start3A_50 : memref<1x128x32x3xf32, #tpu.memory_space<hbm>> -> memref<128x32x3xf32, #tpu.memory_space<hbm>>
      %dma_start3A_52 = arith.constant 0 : i32
      %dma_start3A_53 = arith.constant 0 : i32
      %dma_start3A_54 = tpu.memref_slice %arg4[%select_n3A, %mul3A_32, %dma_start3A_52, %dma_start3A_53] : memref<8x512x32x3xf32, #tpu.memory_space<hbm>> -> memref<1x128x32x3xf32, #tpu.memory_space<hbm>>
      %dma_start3A_55 = tpu.memref_squeeze %dma_start3A_54 : memref<1x128x32x3xf32, #tpu.memory_space<hbm>> -> memref<128x32x3xf32, #tpu.memory_space<hbm>>
      tpu.enqueue_dma source(%arg14 : memref<128x32x3xf32, #tpu.memory_space<vmem>>) target(%dma_start3A_55 : memref<128x32x3xf32, #tpu.memory_space<hbm>>) target_semaphore(%run_scoped3A_48 : memref<!tpu.dma_semaphore, #tpu.memory_space<semaphore_mem>>)
      %dma_wait3A = arith.constant 0 : i32
      %dma_wait3A_56 = arith.constant 0 : i32
      %dma_wait3A_57 = tpu.memref_slice %arg4[%select_n3A, %mul3A_32, %dma_wait3A, %dma_wait3A_56] : memref<8x512x32x3xf32, #tpu.memory_space<hbm>> -> memref<1x128x32x3xf32, #tpu.memory_space<hbm>>
      %dma_wait3A_58 = tpu.memref_squeeze %dma_wait3A_57 : memref<1x128x32x3xf32, #tpu.memory_space<hbm>> -> memref<128x32x3xf32, #tpu.memory_space<hbm>>
      %dma_wait3A_59 = arith.constant 0 : i32
      %dma_wait3A_60 = arith.constant 0 : i32
      %dma_wait3A_61 = tpu.memref_slice %arg4[%select_n3A, %mul3A_32, %dma_wait3A_59, %dma_wait3A_60] : memref<8x512x32x3xf32, #tpu.memory_space<hbm>> -> memref<1x128x32x3xf32, #tpu.memory_space<hbm>>
      %dma_wait3A_62 = tpu.memref_squeeze %dma_wait3A_61 : memref<1x128x32x3xf32, #tpu.memory_space<hbm>> -> memref<128x32x3xf32, #tpu.memory_space<hbm>>
      tpu.wait_dma2 semaphore(%run_scoped3A_48 : memref<!tpu.dma_semaphore, #tpu.memory_space<semaphore_mem>>) src(%arg14 : memref<128x32x3xf32, #tpu.memory_space<vmem>>) dst(%dma_wait3A_62 : memref<128x32x3xf32, #tpu.memory_space<hbm>>)
      tpu.yield
    }) : () -> ()
    return
  }
}

</mosaic_0001>

<sc_bundles>
// kernel: gather_offload_async_start
scs
__scs_entry_jumppad:
0x0: {  	(pc) =	sbr.rel $0x88, $3  }
0x1: {  	(tag) =	ssettag $0x0;
	lr =	simm.s32 $0x1  }
0x2: {  	[smem:$0x3FA0] =	sst lr;
	_ =	strace $0xD0000000  }
0x3: {  	_ = 	snop  }
0x4: {  	_ = 	snop  }
0x5: {  	_ = 	snop  }
0x6: {  	_ = 	snop  }
0x7: {  	_ = 	snop  }
__scs_overlays_trampoline_lowered:
0x8: {  	[smem:$0x3FAF] =	sst s0  }
0x9: {  	[smem:$0x3FB0] =	sst s1  }
0xa: {  	[smem:$0x3FB1] =	sst s2  }
0xb: {  	[smem:$0x3FB2] =	sst s3  }
0xc: {  	[smem:$0x3FB3] =	sst s4  }
0xd: {  	[smem:$0x3FB4] =	sst s5  }
0xe: {  	[smem:$0x3FB5] =	sst s6  }
0xf: {  	[smem:$0x3FB6] =	sst s7  }
0x10: {  	[smem:$0x3FB7] =	sst s8  }
0x11: {  	[smem:$0x3FB8] =	sst s9;
	s0 =	simm.s32 @!p0 $0x0  }
0x12: {  	s1 =	sld [smem:$0x3F9E];
	s0 =	simm.s32 @p0 $0x1  }
0x13: {  	[smem:$0x3FB9] =	sst s0;
	s0 =	simm.s32 @!p1 $0x0  }
0x14: {  	s2 =	sld [smem:$0x3F9D];
	s0 =	simm.s32 @p1 $0x1  }
0x15: {  	[smem:$0x3FBA] =	sst s0;
	s0 =	simm.s32 @!p2 $0x0  }
0x16: {  	s3 =	sld [smem:$0x3FDB];
	s0 =	simm.s32 @p2 $0x1  }
0x17: {  	s4 =	simm.s32 $0x1BF5;
	[smem:$0x3FBC] =	sst s0  }
0x18: {  	s0 =	sld [smem:$0x3F9F];
	_ =	swait.ge [sflag:s4], $0x0  }
0x19: {  	s7 =	sld [smem:$0x3FA0]  }
0x1a: {  	s8 =	sadd.s32 $0xFFFFE003, lr  }
0x1b: {  	s9 =	sadd.s32 $0xFFFFFEF7, lr;
	s5 =	simm.s32 $0xFFFFFFFF;
	p2 =	slt.u32 s8, $0xFFFFF086  }
0x1c: {  	p1 =	slt.u32 s9, $0xF7A;
	s5 =	simm.s32 @!p2 $0x0  }
0x1d: {  	s5 =	simm.s32 @p1 $0x1;
	p0 =	seq.s32 s7, s2  }
0x1e: {  	s7 =	smul.u32 @!p0 $0xF7A, s2;
	p2 =	seq.s32 @!p0 s5, $0x0  }
0x1f: {  	s9 =	smul.u32 $0xF7A, s1;
	s8 =	simm.s32 @!p0 $0x1BF5;
	p2 =	por !p2, p0  }
0x20: {  	[sflag:s8] =	ssyncset.s32 @!p0 $0xFFFFF086;
	s6 =	sadd.s32 @!p0 s3, s7;
	s7 =	simm.s32 @!p0 $0x108  }
0x21: {  	s3 =	sadd.s32 s3, s9;
	s6 =	sadd.s32 @!p0 $0x88, s6;
	s7 =	simm.s32 @p2 $0x1082  }
0x22: {  	[simem:s7], [sflag:s8] =	dma.local @!p0 [hbm:s6], $0xF7A  }
0x23: {  	s9 =	sor.u32 $0xD0000000, s2;
	s6 =	simm.s32 $0x108;
	_ =	swait.ge @!p0 [sflag:s8], $0x0  }
0x24: {  	s3 =	sadd.s32 $0x88, s3;
	s6 =	simm.s32 @!p1 $0x1082;
	[sflag:s4] =	ssyncset.s32 $0xFFFFF086  }
0x25: {  	[simem:s6], [sflag:s4] =	dma.local [hbm:s3], $0xF7A  }
0x26: {  	[smem:$0x3FA0] =	sst s1;
	(tag) =	ssettag s2;
	_ =	strace s9  }
0x27: {  	s1 =	sld [smem:$0x3FB0]  }
0x28: {  	s2 =	sld [smem:$0x3FB1]  }
0x29: {  	s4 =	sld [smem:$0x3FB3]  }
0x2a: {  	p0 =	seq.s32 s5, $0x0;
	s5 =	sld [smem:$0x3FB4]  }
0x2b: {  	s6 =	sld [smem:$0x3FB5]  }
0x2c: {  	s7 =	sld [smem:$0x3FB6]  }
0x2d: {  	s3 =	simm.s32 $0x108;
	s8 =	sld [smem:$0x3FB7]  }
0x2e: {  	s3 =	simm.s32 @!p0 $0x1082;
	s9 =	sld [smem:$0x3FB8]  }
0x2f: {  	lr =	sadd.s32 s0, s3;
	s0 =	sld [smem:$0x3FAF]  }
0x30: {  	s3 =	sld [smem:$0x3FB2]  }
0x31: {  	[smem:$0x3FBB] =	sst s10  }
0x32: {  	s10 =	sld [smem:$0x3FB9];
	_ =	sdelay $0x3  }
0x33: {  	p0 =	seq.s32 s10, $0x1;
	s10 =	sld [smem:$0x3FBB];
	_ =	sdelay $0x3  }
0x34: {  	[smem:$0x3FBB] =	sst s10  }
0x35: {  	s10 =	sld [smem:$0x3FBA];
	_ =	sdelay $0x3  }
0x36: {  	p1 =	seq.s32 s10, $0x1;
	s10 =	sld [smem:$0x3FBB];
	_ =	sdelay $0x3  }
0x37: {  	[smem:$0x3FBB] =	sst s10  }
0x38: {  	s10 =	sld [smem:$0x3FBC]  }
0x39: {  	_ = 	snop;
	(pc) =	sbr.ind lr, $3  }
0x3a: {  	_ = 	snop  }
0x3b: {  	_ = 	snop  }
0x3c: {  	p2 =	seq.s32 s10, $0x1;
	s10 =	sld [smem:$0x3FBB]  }
0x3d: {  	_ =	shalt  }
0x3e: {  	_ =	shalt  }
0x3f: {  	_ =	shalt  }
0x40: {  	_ =	shalt  }
0x41: {  	_ =	shalt  }
0x42: {  	_ =	shalt  }
0x43: {  	_ =	shalt  }
0x44: {  	_ =	shalt  }
0x45: {  	_ =	shalt  }
0x46: {  	_ =	shalt  }
0x47: {  	_ =	shalt  }
0x48: {  	_ =	shalt  }
0x49: {  	_ =	shalt  }
0x4a: {  	_ =	shalt  }
0x4b: {  	_ =	shalt  }
0x4c: {  	_ =	shalt  }
0x4d: {  	_ =	shalt  }
0x4e: {  	_ =	shalt  }
0x4f: {  	_ =	shalt  }
0x50: {  	_ =	shalt  }
0x51: {  	_ =	shalt  }
0x52: {  	_ =	shalt  }
0x53: {  	_ =	shalt  }
0x54: {  	_ =	shalt  }
0x55: {  	_ =	shalt  }
0x56: {  	_ =	shalt  }
0x57: {  	_ =	shalt  }
0x58: {  	_ =	shalt  }
0x59: {  	_ =	shalt  }
0x5a: {  	_ =	shalt  }
0x5b: {  	_ =	shalt  }
0x5c: {  	_ =	shalt  }
0x5d: {  	_ =	shalt  }
0x5e: {  	_ =	shalt  }
0x5f: {  	_ =	shalt  }
0x60: {  	_ =	shalt  }
0x61: {  	_ =	shalt  }
0x62: {  	_ =	shalt  }
0x63: {  	_ =	shalt  }
0x64: {  	_ =	shalt  }
0x65: {  	_ =	shalt  }
0x66: {  	_ =	shalt  }
0x67: {  	_ =	shalt  }
0x68: {  	_ =	shalt  }
0x69: {  	_ =	shalt  }
0x6a: {  	_ =	shalt  }
0x6b: {  	_ =	shalt  }
0x6c: {  	_ =	shalt  }
0x6d: {  	_ =	shalt  }
0x6e: {  	_ =	shalt  }
0x6f: {  	_ =	shalt  }
0x70: {  	_ =	shalt  }
0x71: {  	_ =	shalt  }
0x72: {  	_ =	shalt  }
0x73: {  	_ =	shalt  }
0x74: {  	_ =	shalt  }
0x75: {  	_ =	shalt  }
0x76: {  	_ =	shalt  }
0x77: {  	_ =	shalt  }
0x78: {  	_ =	shalt  }
0x79: {  	_ =	shalt  }
0x7a: {  	_ =	shalt  }
0x7b: {  	_ =	shalt  }
0x7c: {  	_ =	shalt  }
0x7d: {  	_ =	shalt  }
0x7e: {  	_ =	shalt  }
0x7f: {  	_ =	shalt  }
0x80: {  	_ =	shalt  }
0x81: {  	_ =	shalt  }
0x82: {  	_ =	shalt  }
0x83: {  	_ =	shalt  }
0x84: {  	_ =	shalt  }
0x85: {  	_ =	shalt  }
0x86: {  	_ =	shalt  }
0x87: {  	_ =	shalt  }
.Lfunc_end0:
.L_simem_size_0:
called_computation_lowered:
.L_overlay_start_0:
0x88: {  	s2 =	sld [smem:$0x3FD9]  }
0x89: {  	s3 =	sld [smem:$0x3FFE];
	_ =	sdelay $0x1  }
0x8a: {  	s1 =	srdreg.scid  }
0x8b: {  	s0 =	sand.u32 $0x1, s1  }
0x8c: {  	s14 =	sshll.u32 s0, $0xA;
	s2 =	sadd.s32 s3, s2  }
0x8d: {  	s2 =	sadd.s32 s2, s14  }
0x8e: {  	[smem:$0x3FC7] =	sst s2  }
0x8f: {  	_ = 	snop  }
0x90: {  	s2 =	sld [smem:$0x3FD0];
	_ =	sdelay $0x2  }
0x91: {  	s15 =	simm.s32 $0xA;
	s4 =	simm.s32 $0x10  }
0x92: {  	[smem:s4], [sflag:s15] =	dma.local [hbm:s2], $0x1  }
0x93: {  	_ =	swait.eq [sflag:s15], $0x1  }
0x94: {  	[sflag:s15] =	ssyncset.done $0x0  }
0x95: {  	[sflag:s15] =	ssyncadd.s32 $0xFFFFFFFF  }
0x96: {  	s16 =	sld [smem:$0x11];
	(tm) =	ssettm $0x1  }
0x97: {  	s17 =	sld [smem:$0x3FFB];
	_ =	sdelay $0x3  }
0x98: {  	_ =	strace s17  }
0x99: {  	s3 =	sld [smem:$0x3FFC];
	_ =	sdelay $0x3  }
0x9a: {  	_ =	strace s3  }
0x9b: {  	s3 =	sld [smem:$0x3FFD];
	_ =	sdelay $0x3  }
0x9c: {  	_ =	strace s3  }
0x9d: {  	_ =	strace $0x8FFFFFFF  }
0x9e: {  	s18 =	sld [smem:$0x3FDB];
	_ =	sdelay $0x1  }
0x9f: {  	s19 =	simm.s32 $_scs_section_size  }
0xa0: {  	s5 =	simm.s32 $_size__tile_overlayer_lowered;
	s6 =	simm.s32 $_tile_overlayer_lowered  }
0xa1: {  	s22 =	simm.s32 $0x1BFF;
	s21 =	sshll.u32 s6, $0x1;
	s3 =	sadd.s32 s19, s18  }
0xa2: {  	s7 =	simm.s32 $0x0;
	s20 =	sshll.u32 s5, $0x1;
	s5 =	sadd.s32 s21, s3  }
0xa3: {  	[timem:s7], [sflag:s22] =	dma.local [hbm:s5], s20  }
0xa4: {  	_ =	swait.ge [sflag:s22], s20  }
0xa5: {  	s4 =	ssub.s32 $0x0, s20;
	[sflag:s22] =	ssyncset.done $0x0  }
0xa6: {  	[sflag:s22] =	ssyncadd.s32 s4;
	_ =	sdelay $0x1  }
0xa7: {  	s23 =	simm.s32 $0x1B8B  }
0xa8: {  	_ =	swait.ge [sflag:s23], $0x1  }
0xa9: {  	[sflag:s23] =	ssyncset.done $0x0  }
0xaa: {  	s25 =	simm.s32 $0x1B8E;
	s24 =	sld [smem:$0x3FFE];
	[sflag:s23] =	ssyncadd.s32 $0xFFFFFFFF  }
0xab: {  	s26 =	simm.s32 $execute0_lowered;
	[smem:$0x3FD2] =	sst s25  }
0xac: {  	s5 =	sshll.u32 s26, $0x1;
	_ =	strace $0x80000046;
	[dreg:$0x1] =	wrdreg $0xFFFFFFFF  }
0xad: {  	s28 =	simm.s32 $_size_execute0_lowered;
	s3 =	sadd.s32 s3, s5;
	[dreg:$0x0] =	wrdreg $0x0  }
0xae: {  	s5 =	sshll.u32 s28, $0x1;
	[dreg:$0x2] =	wrdreg s3  }
0xaf: {  	[dreg:$0x3] =	wrdreg s5  }
0xb0: {  	[dreg:$0x4] =	wrdreg $0xC0  }
0xb1: {  	_ =	task [dreg:s7], $0x5FFFF  }
0xb2: {  	[dreg:$0x1] =	wrdreg $0xFFFFFFFF  }
0xb3: {  	[dreg:$0x0] =	wrdreg $0x60  }
0xb4: {  	[dreg:$0x2] =	wrdreg s24  }
0xb5: {  	[dreg:$0x3] =	wrdreg s16  }
0xb6: {  	[dreg:$0x4] =	wrdreg $0x9  }
0xb7: {  	_ =	task.clear_ibuf [dreg:s7], $0x5FFFF;
	_ =	strace $0x90000046  }
0xb8: {  	s29 =	simm.s32 $0x9;
	_ =	strace $0x80000048  }
0xb9: {  	_ =	swait.ge [sflag:s29], $0x1  }
0xba: {  	[sflag:s29] =	ssyncadd.s32 $0xFFFFFFFF  }
0xbb: {  	_ =	strace $0x90000048  }
0xbc: {  	_ =	sfence  }
0xbd: {  	s30 =	sld [smem:$0x0];
	_ =	sdelay $0x2  }
0xbe: {  	s31 =	sshll.u32 s1, $0xD;
	s1 =	sshrl.u32 s1, $0x2  }
0xbf: {  	s3 =	sand.u32 $0x4000, s31;
	s1 =	sadd.s32 s1, s30  }
0xc0: {  	s0 =	sor.u32 s3, s0;
	s1 =	sshll.u32 s1, $0x11  }
0xc1: {  	s0 =	sor.u32 s1, s0  }
0xc2: {  	s0 =	sadd.s32 $0x8F2B, s0  }
0xc3: {  	[sflag:s0] =	ssyncadd.remote.s32 $0x1  }
0xc4: {  	_ =	sfence.sel $0xFFFF  }
0xc5: {  	[dreg:$0x0] =	wrdreg $0xFFFFFFFF;
	(pc) =	sbr.abs _section_cstart, $3  }
0xc6: {  	[dreg:$0x1] =	wrdreg $0xFFFFFFFF  }
0xc7: {  	_ =	task.clear_ibuf [dreg:s7], $0x2FFFF;
	_ =	strace $0x9FFFFFFF  }
0xc8: {  	(tm) =	ssettm $0x7FFFFFFF  }
0xc9: {  	_ =	shalt  }
tec
execute0_lowered:
.L_overlay_start_1:
0x0: {  	(tag) =	ssettag $0x1  }
0x1: {  	s2 =	rddreg [dreg:$0x0]  }
0x2: {  	s3 =	rddreg [dreg:$0x1]  }
0x3: {  	s0 =	rddreg [dreg:$0x2];
	s1 =	srdreg.scid;
	_ =	strace $0x80000047  }
0x4: {  	s4 =	simm.s32 $0x1;
	s9 =	simm.s32 $0x3;
	s5 =	sshll.u32 s1, $0x4  }
.Ltmp0:
0x5: {  	s1 =	stileid.u32;
	s5 =	sand.u32 $0x10, s5;
	(pc) =	sbr.rel .LBB2_1-.Ltmp0, $4  }
0x6: {  	s12 =	simm.s32 $0x0;
	s10 =	simm.s32 $0x0;
	s6 =	sor.u32 s1, s5  }
0x7: {  	[sflag:s4] =	ssyncpa.u1 $0x0;
	s5 =	simm.s32 $0x2;
	s6 =	sshll.u32 s6, $0x7  }
0x8: {  	s7 =	sadd.s32 $0x100000, s2;
	[sflag:s5] =	ssyncpa.u1 $0x0;
	s8 =	sadd.s32 $0x80, s6  }
0x9: {  	vm0 =	vmmov $0xff;
	vm1 =	vcmask $0x3F20;
	[sflag:s9] =	ssyncpa.u1 $0x0;
	s9 =	simm.s32 $0x80;
	s11 =	smov.u32 s6  }
.LBB2_9:
0xa: {  	p0 =	seq.s32 s10, $0x2  }
.Ltmp1:
0xb: {  	_ = 	snop;
	(pc) =	sbr.rel @p0 .LBB2_11-.Ltmp1, $1  }
0xc: {  	_ =	sdelay $0x3  }
.LBB2_10:
0xd: {  	s12 =	sadd.s32 $0x80, s11  }
0xe: {  	s13 =	smov.u32 s6;
	p0 =	slt.s32 s12, s8  }
0xf: {  	s13 =	smov.u32 @p0 s12  }
0x10: {  	s10 =	sadd.s32 $0x1, s10;
	s12 =	smov.u32 s11;
	s11 =	smov.u32 s13  }
.LBB2_1:
0x11: {  	p0 =	sne.s32 s10, $0x0  }
.Ltmp2:
0x12: {  	_ = 	snop;
	(pc) =	sbr.rel @!p0 .LBB2_2-.Ltmp2, $1  }
0x13: {  	_ =	sdelay $0x3  }
0x14: {  	s13 =	sand.u32 $0x1, s10  }
0x15: {  	p0 =	seq.s32 s13, $0x0  }
.Ltmp3:
0x16: {  	_ = 	snop;
	(pc) =	sbr.rel @p0 .LBB2_9-.Ltmp3, $1  }
0x17: {  	_ =	sdelay $0x3  }
0x18: {  	_ =	swait.ge [sflag:s5], $0x80  }
0x19: {  	[sflag:s5] =	ssyncset.done $0x0  }
0x1a: {  	s13 =	simm.s32 $0x0;
	[sflag:s5] =	ssyncadd.s32 $0xFFFFFF80  }
0x1b: {  	v0 =	vld.msk [tilespmem:s13+$0x80 ss:$0x1], $0xffff;
	_ =	sdelay $0x4  }
0x1c: {  	v1 =	vshll.u32 v0, $0x4  }
0x1d: {  	vm2 =	veq.s32 v0, $0x80000000;
	v0 =	vshll.u32 v0, $0x14;
	v1 =	vand.u32 $0xFFF80, v1  }
0x1e: {  	v0 =	vand.u32 $0x700000, v0;
	v1 =	vsel vm2, $0xFFFFFF80, v1  }
0x1f: {  	v0 =	vsel vm2, $0xFFF00000, v0;
	v2 =	vand.u32 $0xFFFFFC00, v1  }
0x20: {  	v1 =	vand.u32 $0x380, v1;
	v0 =	vadd.s32 v0, v2  }
0x21: {  	v0 =	vor.u32 v1, v0  }
0x22: {  	v0 =	vshrl.u32 v0, $0x3;
	_ =	sdelay $0x3  }
0x23: {  	s13 =	simm.s32 $0x4100  }
0x24: {  	[tilespmem:s13], [sflag:$0x1] =	stream.indirect_vreg.gather [hbm:s2], $0x80, v0, vm0, $0x38;
	[tilespmem:$0x8100] =	vst v63  }
0x25: {  	s14 =	simm.s32 $0x4500;
	s31 =	simm.s32 $0x10  }
0x26: {  	[tilespmem:s14], [sflag:$0x1] =	stream.indirect_vreg.gather [hbm:s2], $0x80, v0, vm1, $0x38;
	[tilespmem:$0x8100] =	vst v63  }
0x27: {  	s14 =	simm.s32 $0x80;
	v0 =	vld.msk [tilespmem:s31+$0x80 ss:$0x1], $0xffff  }
.LBB2_5:
0x28: {  	p0 =	sne.s32 s14, $0x1C0;
	_ =	sdelay $0x4  }
0x29: {  	v1 =	vshll.u32 v0, $0x4  }
0x2a: {  	vm2 =	veq.s32 v0, $0x80000000;
	v0 =	vshll.u32 v0, $0x14;
	v1 =	vand.u32 $0xFFF80, v1  }
0x2b: {  	v0 =	vand.u32 $0x700000, v0;
	v1 =	vsel vm2, $0xFFFFFF80, v1  }
0x2c: {  	v0 =	vsel vm2, $0xFFF00000, v0;
	v2 =	vand.u32 $0xFFFFFC00, v1  }
0x2d: {  	v1 =	vand.u32 $0x380, v1;
	v0 =	vadd.s32 v0, v2  }
0x2e: {  	v0 =	vor.u32 v1, v0  }
0x2f: {  	v0 =	vshrl.u32 v0, $0x3;
	_ =	sdelay $0x3  }
.Ltmp4:
0x30: {  	s13 =	sadd.s32 $0x800, s13;
	(pc) =	sbr.rel @p0 .LBB2_5-.Ltmp4, $4  }
0x31: {  	[tilespmem:s13], [sflag:$0x1] =	stream.indirect_vreg.gather [hbm:s2], $0x80, v0, vm0, $0x38;
	[tilespmem:$0x8100] =	vst v63  }
0x32: {  	s15 =	sshra.s32 s14, $0x2;
	s16 =	sadd.s32 $0x400, s13  }
0x33: {  	[tilespmem:s16], [sflag:$0x1] =	stream.indirect_vreg.gather [hbm:s2], $0x80, v0, vm1, $0x38;
	[tilespmem:$0x8100] =	vst v63  }
0x34: {  	s14 =	sadd.s32 $0x40, s14;
	v0 =	vld.msk [tilespmem:s15+$0x80 ss:$0x1], $0xffff  }
0x35: {  	_ =	sdelay $0x3  }
0x36: {  	v1 =	vshll.u32 v0, $0x4  }
0x37: {  	vm2 =	veq.s32 v0, $0x80000000;
	v63 =	vshll.u32 v0, $0x14;
	v1 =	vand.u32 $0xFFF80, v1  }
0x38: {  	v0 =	vand.u32 $0x700000, v63;
	v1 =	vsel vm2, $0xFFFFFF80, v1  }
0x39: {  	v0 =	vsel vm2, $0xFFF00000, v0;
	v2 =	vand.u32 $0xFFFFFC00, v1  }
0x3a: {  	v1 =	vand.u32 $0x380, v1;
	v0 =	vadd.s32 v0, v2  }
0x3b: {  	v0 =	vor.u32 v1, v0  }
0x3c: {  	v0 =	vshrl.u32 v0, $0x3;
	_ =	sdelay $0x3  }
0x3d: {  	s13 =	sadd.s32 $0x800, s13  }
0x3e: {  	[tilespmem:s13], [sflag:$0x1] =	stream.indirect_vreg.gather [hbm:s2], $0x80, v0, vm0, $0x38;
	[tilespmem:$0x8100] =	vst v63  }
0x3f: {  	s13 =	sadd.s32 $0x400, s13  }
0x40: {  	[tilespmem:s13], [sflag:$0x1] =	stream.indirect_vreg.gather [hbm:s2], $0x80, v0, vm1, $0x38;
	[tilespmem:$0x8100] =	vst v63  }
0x41: {  	s12 =	sshll.u32 s12, $0x4;
	s14 =	simm.s32 $0x80;
	_ =	swait.ge [sflag:s4], $0x4000  }
0x42: {  	s15 =	simm.s32 $0x4500;
	s12 =	sadd.s32 s12, s7;
	[sflag:s4] =	ssyncset.done $0x0  }
0x43: {  	s16 =	sadd.s32 $0x0, s12;
	s13 =	simm.s32 $0x4100;
	[sflag:s4] =	ssyncadd.s32 $0xFFFFC000  }
.LBB2_7:
0x44: {  	[hbm:s16] =	stream.linear.scatter [tilespmem:s13], [sflag:$0x3], $0x400, $0x38;
	[tilespmem:$0x8100] =	vst v63  }
0x45: {  	s16 =	smov.u32 s14;
	s13 =	smov.u32 s15;
	p0 =	sne.s32 s14, $0x780  }
.Ltmp5:
0x46: {  	s14 =	sadd.s32 $0x80, s14;
	(pc) =	sbr.rel @p0 .LBB2_7-.Ltmp5, $2  }
0x47: {  	_ =	sdelay $0x2  }
0x48: {  	s15 =	sadd.s32 $0x400, s15;
	s16 =	sadd.s32 s16, s12  }
.Ltmp6:
0x49: {  	(pc) =	sbr.rel .LBB2_9-.Ltmp6, $2  }
0x4a: {  	_ =	sdelay $0x2  }
0x4b: {  	[hbm:s16] =	stream.linear.scatter [tilespmem:s13], [sflag:$0x3], $0x400, $0x38;
	[tilespmem:$0x8100] =	vst v63  }
.LBB2_2:
.Ltmp7:
0x4c: {  	(pc) =	sbr.rel .LBB2_10-.Ltmp7, $4  }
0x4d: {  	_ = 	snop  }
0x4e: {  	s12 =	sshrl.u32 s11, $0x3  }
0x4f: {  	s13 =	sand.u32 $0x7, s11;
	s12 =	sadd.s32 s3, s12  }
0x50: {  	[tilespmem:s9], [sflag:$0x2] =	stream.linear.gather [hbm4b:s12+s13], $0x80, $0x38;
	[tilespmem:$0x8100] =	vst v63  }
.LBB2_11:
0x51: {  	s2 =	simm.s32 $0x3  }
0x52: {  	_ =	swait.ge [sflag:s2], $0x4000  }
0x53: {  	[sflag:s2] =	ssyncset.done $0x0  }
0x54: {  	[sflag:s2] =	ssyncadd.s32 $0xFFFFC000  }
0x55: {  	_ =	sfence.sel $0x180000  }
0x56: {  	s3 =	simm.s32 $0x2;
	[bflag:$0x0] =	sbarrier.arrive $0xFFFF  }
0x57: {  	[sflag:s3] =	ssyncpa.u1 $0x1  }
0x58: {  	s31 =	simm.s32 $0x1;
	[sflag:s2] =	ssyncpa.u1 $0x1  }
0x59: {  	[sflag:s31] =	ssyncpa.u1 $0x1  }
0x5a: {  	p0 =	sne.s32 s1, $0x0;
	_ =	strace $0x90000047  }
0x5b: {  	s0 =	sadd.s32 @!p0 $0x100000, s0;
	[bflag:$0x2] =	sbarrier.arrive $0xFFFF  }
0x5c: {  	[sflag:s0] =	ssyncadd.tile.s32 @!p0 $0x1;
	_ =	shalt  }
.Lfunc_end2:
_tile_overlayer_lowered:
.L_overlay_start_2:
0x5d: {  	(tag) =	ssettag $0x2  }
0x5e: {  	s0 =	rddreg [dreg:$0x0];
	s2 =	stileid.u32  }
0x5f: {  	s1 =	rddreg [dreg:$0x1];
	p0 =	sne.s32 s2, $0x0  }
0x60: {  	s3 =	rddreg [dreg:$0x2];
	[bflag:$0x3] =	sbarrier.arrive $0xFFFF;
	s2 =	simm.s32 @!p0 $0x1C01  }
0x61: {  	[timem:s3], [sflag:s2] =	dma.local @!p0 [hbm:s0], s1  }
0x62: {  	s0 =	simm.s32 @!p0 $0x1  }
0x63: {  	_ =	swait.ge @!p0 [sflag:s0], s1  }
0x64: {  	s1 =	ssub.s32 @!p0 $0x0, s1;
	[sflag:s0] =	ssyncset.done @!p0 $0x0  }
0x65: {  	[sflag:s0] =	ssyncadd.s32 @!p0 s1  }
0x66: {  	[bflag:$0x3] =	sbarrier.arrive $0xFFFF  }
0x67: {  	_ =	shalt  }

// kernel: kernel.3.cloned.1.call-start
scs
__scs_entry_jumppad:
0x0: {  	(pc) =	sbr.rel $0x88, $3  }
0x1: {  	(tag) =	ssettag $0x0;
	lr =	simm.s32 $0x1  }
0x2: {  	[smem:$0x3FA0] =	sst lr;
	_ =	strace $0xD0000000  }
0x3: {  	_ = 	snop  }
0x4: {  	_ = 	snop  }
0x5: {  	_ = 	snop  }
0x6: {  	_ = 	snop  }
0x7: {  	_ = 	snop  }
__scs_overlays_trampoline_lowered:
0x8: {  	[smem:$0x3FAF] =	sst s0  }
0x9: {  	[smem:$0x3FB0] =	sst s1  }
0xa: {  	[smem:$0x3FB1] =	sst s2  }
0xb: {  	[smem:$0x3FB2] =	sst s3  }
0xc: {  	[smem:$0x3FB3] =	sst s4  }
0xd: {  	[smem:$0x3FB4] =	sst s5  }
0xe: {  	[smem:$0x3FB5] =	sst s6  }
0xf: {  	[smem:$0x3FB6] =	sst s7  }
0x10: {  	[smem:$0x3FB7] =	sst s8  }
0x11: {  	[smem:$0x3FB8] =	sst s9;
	s0 =	simm.s32 @!p0 $0x0  }
0x12: {  	s1 =	sld [smem:$0x3F9E];
	s0 =	simm.s32 @p0 $0x1  }
0x13: {  	[smem:$0x3FB9] =	sst s0;
	s0 =	simm.s32 @!p1 $0x0  }
0x14: {  	s2 =	sld [smem:$0x3F9D];
	s0 =	simm.s32 @p1 $0x1  }
0x15: {  	[smem:$0x3FBA] =	sst s0;
	s0 =	simm.s32 @!p2 $0x0  }
0x16: {  	s3 =	sld [smem:$0x3FDB];
	s0 =	simm.s32 @p2 $0x1  }
0x17: {  	s4 =	simm.s32 $0x1BF5;
	[smem:$0x3FBC] =	sst s0  }
0x18: {  	s0 =	sld [smem:$0x3F9F];
	_ =	swait.ge [sflag:s4], $0x0  }
0x19: {  	s7 =	sld [smem:$0x3FA0]  }
0x1a: {  	s8 =	sadd.s32 $0xFFFFE003, lr  }
0x1b: {  	s9 =	sadd.s32 $0xFFFFFEF7, lr;
	s5 =	simm.s32 $0xFFFFFFFF;
	p2 =	slt.u32 s8, $0xFFFFF086  }
0x1c: {  	p1 =	slt.u32 s9, $0xF7A;
	s5 =	simm.s32 @!p2 $0x0  }
0x1d: {  	s5 =	simm.s32 @p1 $0x1;
	p0 =	seq.s32 s7, s2  }
0x1e: {  	s7 =	smul.u32 @!p0 $0xF7A, s2;
	p2 =	seq.s32 @!p0 s5, $0x0  }
0x1f: {  	s9 =	smul.u32 $0xF7A, s1;
	s8 =	simm.s32 @!p0 $0x1BF5;
	p2 =	por !p2, p0  }
0x20: {  	[sflag:s8] =	ssyncset.s32 @!p0 $0xFFFFF086;
	s6 =	sadd.s32 @!p0 s3, s7;
	s7 =	simm.s32 @!p0 $0x108  }
0x21: {  	s3 =	sadd.s32 s3, s9;
	s6 =	sadd.s32 @!p0 $0x88, s6;
	s7 =	simm.s32 @p2 $0x1082  }
0x22: {  	[simem:s7], [sflag:s8] =	dma.local @!p0 [hbm:s6], $0xF7A  }
0x23: {  	s9 =	sor.u32 $0xD0000000, s2;
	s6 =	simm.s32 $0x108;
	_ =	swait.ge @!p0 [sflag:s8], $0x0  }
0x24: {  	s3 =	sadd.s32 $0x88, s3;
	s6 =	simm.s32 @!p1 $0x1082;
	[sflag:s4] =	ssyncset.s32 $0xFFFFF086  }
0x25: {  	[simem:s6], [sflag:s4] =	dma.local [hbm:s3], $0xF7A  }
0x26: {  	[smem:$0x3FA0] =	sst s1;
	(tag) =	ssettag s2;
	_ =	strace s9  }
0x27: {  	s1 =	sld [smem:$0x3FB0]  }
0x28: {  	s2 =	sld [smem:$0x3FB1]  }
0x29: {  	s4 =	sld [smem:$0x3FB3]  }
0x2a: {  	p0 =	seq.s32 s5, $0x0;
	s5 =	sld [smem:$0x3FB4]  }
0x2b: {  	s6 =	sld [smem:$0x3FB5]  }
0x2c: {  	s7 =	sld [smem:$0x3FB6]  }
0x2d: {  	s3 =	simm.s32 $0x108;
	s8 =	sld [smem:$0x3FB7]  }
0x2e: {  	s3 =	simm.s32 @!p0 $0x1082;
	s9 =	sld [smem:$0x3FB8]  }
0x2f: {  	lr =	sadd.s32 s0, s3;
	s0 =	sld [smem:$0x3FAF]  }
0x30: {  	s3 =	sld [smem:$0x3FB2]  }
0x31: {  	[smem:$0x3FBB] =	sst s10  }
0x32: {  	s10 =	sld [smem:$0x3FB9];
	_ =	sdelay $0x3  }
0x33: {  	p0 =	seq.s32 s10, $0x1;
	s10 =	sld [smem:$0x3FBB];
	_ =	sdelay $0x3  }
0x34: {  	[smem:$0x3FBB] =	sst s10  }
0x35: {  	s10 =	sld [smem:$0x3FBA];
	_ =	sdelay $0x3  }
0x36: {  	p1 =	seq.s32 s10, $0x1;
	s10 =	sld [smem:$0x3FBB];
	_ =	sdelay $0x3  }
0x37: {  	[smem:$0x3FBB] =	sst s10  }
0x38: {  	s10 =	sld [smem:$0x3FBC]  }
0x39: {  	_ = 	snop;
	(pc) =	sbr.ind lr, $3  }
0x3a: {  	_ = 	snop  }
0x3b: {  	_ = 	snop  }
0x3c: {  	p2 =	seq.s32 s10, $0x1;
	s10 =	sld [smem:$0x3FBB]  }
0x3d: {  	_ =	shalt  }
0x3e: {  	_ =	shalt  }
0x3f: {  	_ =	shalt  }
0x40: {  	_ =	shalt  }
0x41: {  	_ =	shalt  }
0x42: {  	_ =	shalt  }
0x43: {  	_ =	shalt  }
0x44: {  	_ =	shalt  }
0x45: {  	_ =	shalt  }
0x46: {  	_ =	shalt  }
0x47: {  	_ =	shalt  }
0x48: {  	_ =	shalt  }
0x49: {  	_ =	shalt  }
0x4a: {  	_ =	shalt  }
0x4b: {  	_ =	shalt  }
0x4c: {  	_ =	shalt  }
0x4d: {  	_ =	shalt  }
0x4e: {  	_ =	shalt  }
0x4f: {  	_ =	shalt  }
0x50: {  	_ =	shalt  }
0x51: {  	_ =	shalt  }
0x52: {  	_ =	shalt  }
0x53: {  	_ =	shalt  }
0x54: {  	_ =	shalt  }
0x55: {  	_ =	shalt  }
0x56: {  	_ =	shalt  }
0x57: {  	_ =	shalt  }
0x58: {  	_ =	shalt  }
0x59: {  	_ =	shalt  }
0x5a: {  	_ =	shalt  }
0x5b: {  	_ =	shalt  }
0x5c: {  	_ =	shalt  }
0x5d: {  	_ =	shalt  }
0x5e: {  	_ =	shalt  }
0x5f: {  	_ =	shalt  }
0x60: {  	_ =	shalt  }
0x61: {  	_ =	shalt  }
0x62: {  	_ =	shalt  }
0x63: {  	_ =	shalt  }
0x64: {  	_ =	shalt  }
0x65: {  	_ =	shalt  }
0x66: {  	_ =	shalt  }
0x67: {  	_ =	shalt  }
0x68: {  	_ =	shalt  }
0x69: {  	_ =	shalt  }
0x6a: {  	_ =	shalt  }
0x6b: {  	_ =	shalt  }
0x6c: {  	_ =	shalt  }
0x6d: {  	_ =	shalt  }
0x6e: {  	_ =	shalt  }
0x6f: {  	_ =	shalt  }
0x70: {  	_ =	shalt  }
0x71: {  	_ =	shalt  }
0x72: {  	_ =	shalt  }
0x73: {  	_ =	shalt  }
0x74: {  	_ =	shalt  }
0x75: {  	_ =	shalt  }
0x76: {  	_ =	shalt  }
0x77: {  	_ =	shalt  }
0x78: {  	_ =	shalt  }
0x79: {  	_ =	shalt  }
0x7a: {  	_ =	shalt  }
0x7b: {  	_ =	shalt  }
0x7c: {  	_ =	shalt  }
0x7d: {  	_ =	shalt  }
0x7e: {  	_ =	shalt  }
0x7f: {  	_ =	shalt  }
0x80: {  	_ =	shalt  }
0x81: {  	_ =	shalt  }
0x82: {  	_ =	shalt  }
0x83: {  	_ =	shalt  }
0x84: {  	_ =	shalt  }
0x85: {  	_ =	shalt  }
0x86: {  	_ =	shalt  }
0x87: {  	_ =	shalt  }
.Lfunc_end0:
.L_simem_size_0:
called_computation.1_lowered:
.L_overlay_start_0:
0x88: {  	s2 =	sld [smem:$0x3FD9]  }
0x89: {  	s3 =	sld [smem:$0x3FFE];
	_ =	sdelay $0x1  }
0x8a: {  	s1 =	srdreg.scid  }
0x8b: {  	s0 =	sand.u32 $0x1, s1  }
0x8c: {  	s14 =	sshll.u32 s0, $0xA;
	s2 =	sadd.s32 s3, s2  }
0x8d: {  	s2 =	sadd.s32 s2, s14  }
0x8e: {  	[smem:$0x3FC7] =	sst s2  }
0x8f: {  	_ = 	snop  }
0x90: {  	s2 =	sld [smem:$0x3FD0];
	_ =	sdelay $0x2  }
0x91: {  	s15 =	simm.s32 $0xA;
	s4 =	simm.s32 $0x10  }
0x92: {  	[smem:s4], [sflag:s15] =	dma.local [hbm:s2], $0x1  }
0x93: {  	_ =	swait.eq [sflag:s15], $0x1  }
0x94: {  	[sflag:s15] =	ssyncset.done $0x0  }
0x95: {  	[sflag:s15] =	ssyncadd.s32 $0xFFFFFFFF  }
0x96: {  	s16 =	sld [smem:$0x10];
	(tm) =	ssettm $0x1  }
0x97: {  	s17 =	sld [smem:$0x3FFB];
	_ =	sdelay $0x3  }
0x98: {  	_ =	strace s17  }
0x99: {  	s3 =	sld [smem:$0x3FFC];
	_ =	sdelay $0x3  }
0x9a: {  	_ =	strace s3  }
0x9b: {  	s3 =	sld [smem:$0x3FFD];
	_ =	sdelay $0x3  }
0x9c: {  	_ =	strace s3  }
0x9d: {  	_ =	strace $0x8FFFFFFF  }
0x9e: {  	s18 =	sld [smem:$0x3FDB];
	_ =	sdelay $0x1  }
0x9f: {  	s19 =	simm.s32 $_scs_section_size  }
0xa0: {  	s5 =	simm.s32 $_size__tile_overlayer_lowered;
	s6 =	simm.s32 $_tile_overlayer_lowered  }
0xa1: {  	s22 =	simm.s32 $0x1BFF;
	s21 =	sshll.u32 s6, $0x1;
	s3 =	sadd.s32 s19, s18  }
0xa2: {  	s7 =	simm.s32 $0x0;
	s20 =	sshll.u32 s5, $0x1;
	s5 =	sadd.s32 s21, s3  }
0xa3: {  	[timem:s7], [sflag:s22] =	dma.local [hbm:s5], s20  }
0xa4: {  	_ =	swait.ge [sflag:s22], s20  }
0xa5: {  	s4 =	ssub.s32 $0x0, s20;
	[sflag:s22] =	ssyncset.done $0x0  }
0xa6: {  	[sflag:s22] =	ssyncadd.s32 s4;
	_ =	sdelay $0x1  }
0xa7: {  	s23 =	simm.s32 $0x1B8B  }
0xa8: {  	_ =	swait.ge [sflag:s23], $0x1  }
0xa9: {  	[sflag:s23] =	ssyncset.done $0x0  }
0xaa: {  	s25 =	simm.s32 $0x1B8E;
	s24 =	sld [smem:$0x3FFE];
	[sflag:s23] =	ssyncadd.s32 $0xFFFFFFFF  }
0xab: {  	s26 =	simm.s32 $execute0_lowered;
	[smem:$0x3FD2] =	sst s25  }
0xac: {  	s5 =	sshll.u32 s26, $0x1;
	_ =	strace $0x80000049;
	[dreg:$0x1] =	wrdreg $0xFFFFFFFF  }
0xad: {  	s28 =	simm.s32 $_size_execute0_lowered;
	s3 =	sadd.s32 s3, s5;
	[dreg:$0x0] =	wrdreg $0x0  }
0xae: {  	s5 =	sshll.u32 s28, $0x1;
	[dreg:$0x2] =	wrdreg s3  }
0xaf: {  	[dreg:$0x3] =	wrdreg s5  }
0xb0: {  	[dreg:$0x4] =	wrdreg $0xC0  }
0xb1: {  	_ =	task [dreg:s7], $0x5FFFF  }
0xb2: {  	[dreg:$0x1] =	wrdreg $0xFFFFFFFF  }
0xb3: {  	[dreg:$0x0] =	wrdreg $0x60  }
0xb4: {  	[dreg:$0x2] =	wrdreg s16  }
0xb5: {  	[dreg:$0x3] =	wrdreg s24  }
0xb6: {  	[dreg:$0x4] =	wrdreg $0x9  }
0xb7: {  	_ =	task.clear_ibuf [dreg:s7], $0x5FFFF;
	_ =	strace $0x90000049  }
0xb8: {  	s29 =	simm.s32 $0x9;
	_ =	strace $0x8000004B  }
0xb9: {  	_ =	swait.ge [sflag:s29], $0x1  }
0xba: {  	[sflag:s29] =	ssyncadd.s32 $0xFFFFFFFF  }
0xbb: {  	_ =	strace $0x9000004B  }
0xbc: {  	_ =	sfence  }
0xbd: {  	s30 =	sld [smem:$0x0];
	_ =	sdelay $0x2  }
0xbe: {  	s31 =	sshll.u32 s1, $0xD;
	s1 =	sshrl.u32 s1, $0x2  }
0xbf: {  	s3 =	sand.u32 $0x4000, s31;
	s1 =	sadd.s32 s1, s30  }
0xc0: {  	s0 =	sor.u32 s3, s0;
	s1 =	sshll.u32 s1, $0x11  }
0xc1: {  	s0 =	sor.u32 s1, s0  }
0xc2: {  	s0 =	sadd.s32 $0x8F2B, s0  }
0xc3: {  	[sflag:s0] =	ssyncadd.remote.s32 $0x1  }
0xc4: {  	_ =	sfence.sel $0xFFFF  }
0xc5: {  	[dreg:$0x0] =	wrdreg $0xFFFFFFFF;
	(pc) =	sbr.abs _section_cstart, $3  }
0xc6: {  	[dreg:$0x1] =	wrdreg $0xFFFFFFFF  }
0xc7: {  	_ =	task.clear_ibuf [dreg:s7], $0x2FFFF;
	_ =	strace $0x9FFFFFFF  }
0xc8: {  	(tm) =	ssettm $0x7FFFFFFF  }
0xc9: {  	_ =	shalt  }
tec
execute0_lowered:
.L_overlay_start_1:
0x0: {  	(tag) =	ssettag $0x1  }
0x1: {  	s3 =	rddreg [dreg:$0x0]  }
0x2: {  	s6 =	rddreg [dreg:$0x1]  }
0x3: {  	s0 =	rddreg [dreg:$0x2];
	s2 =	simm.s32 $0x0;
	s1 =	stileid.u32  }
0x4: {  	s4 =	srdreg.scid;
	s11 =	simm.s32 $0x1;
	s12 =	simm.s32 $0x2000  }
0x5: {  	s13 =	simm.s32 $0x4000;
	s14 =	simm.s32 $0x6000;
	s15 =	simm.s32 $0x6080  }
0x6: {  	s16 =	simm.s32 $0x6100;
	s17 =	simm.s32 $0x6180;
	s18 =	simm.s32 $0x6990  }
0x7: {  	s19 =	simm.s32 $0x71A0;
	s20 =	simm.s32 $0x71C0;
	s21 =	simm.s32 $0x0  }
0x8: {  	[smem:$0x7FF] =	sst s2;
	s5 =	sshrl.u32 s1, $0x1;
	s4 =	sand.u32 $0x1, s4  }
0x9: {  	s9 =	sshll.u32 s1, $0x1;
	_ =	strace $0x8000004A;
	s7 =	sshll.u32 s5, $0xE  }
0xa: {  	s8 =	ssub.s32 $0x2, s4;
	s9 =	sand.u32 $0x2, s9;
	s30 =	sshll.u32 s5, $0xA  }
0xb: {  	s5 =	sshll.u32 s5, $0x6;
	s7 =	sadd.s32 s7, s6;
	s10 =	sshrl.u32 s8, $0x1  }
.Ltmp0:
0xc: {  	v0 =	vlaneseq.u32;
	s29 =	sor.u32 s4, s9;
	s3 =	sadd.s32 s3, s30;
	(pc) =	sbr.rel .LBB2_1-.Ltmp0, $4  }
0xd: {  	v1 =	vmul.u32 $0x8, v0;
	s10 =	ssub.s32 s8, s10;
	s9 =	sshll.u32 s29, $0x4;
	s4 =	sadd.s32 $0x2000, s3  }
0xe: {  	v2 =	vimm.s32 $0x0;
	s8 =	sshll.u32 s29, $0xC;
	s9 =	sor.u32 s5, s9;
	s5 =	sadd.s32 $0x4000, s3  }
0xf: {  	v3 =	vimm.f32 $+Inf;
	v4 =	vor.u32 $0x1, v1;
	v5 =	vor.u32 $0x2, v1;
	s31 =	sadd.s32 s8, s7;
	s10 =	smax.u32 s10, $0x1;
	s6 =	sadd.s32 s6, s9  }
0x10: {  	v6 =	vor.u32 $0x80, v1;
	v7 =	vor.u32 $0x81, v1;
	v8 =	vor.u32 $0x82, v1;
	s9 =	sadd.s32 $0x600, s31;
	s7 =	sadd.s32 $0x200, s6;
	s8 =	sadd.s32 $0x400, s6  }
.LBB2_14:
0x11: {  	s21 =	sadd.s32 $0x1, s21  }
0x12: {  	p0 =	sne.s32 s21, s10  }
.Ltmp1:
0x13: {  	_ = 	snop;
	(pc) =	sbr.rel @!p0 .LBB2_15-.Ltmp1, $4  }
0x14: {  	[hbm4b:s9+s2] =	stream.linear.scatter [tilespmem:s20], [sflag:$0x1], $0x8000, $0x38;
	[tilespmem:$0x111C0] =	vst v63  }
0x15: {  	_ =	swait.ge [sflag:s11], $0x8000  }
0x16: {  	[sflag:s11] =	ssyncset.done $0x0  }
0x17: {  	[sflag:s11] =	ssyncadd.s32 $0xFFFF8000  }
.LBB2_1:
0x18: {  	[tilespmem:s2], [sflag:$0x1] =	stream.linear.gather [hbm4b:s3+s2], $0x2000, $0x38;
	[tilespmem:$0x111C0] =	vst v63  }
0x19: {  	_ =	swait.ge [sflag:s11], $0x2000  }
0x1a: {  	[sflag:s11] =	ssyncset.done $0x0  }
0x1b: {  	[sflag:s11] =	ssyncadd.s32 $0xFFFFE000  }
0x1c: {  	[tilespmem:s12], [sflag:$0x1] =	stream.linear.gather [hbm4b:s4+s2], $0x2000, $0x38;
	[tilespmem:$0x111C0] =	vst v63  }
0x1d: {  	_ =	swait.ge [sflag:s11], $0x2000  }
0x1e: {  	[sflag:s11] =	ssyncset.done $0x0  }
0x1f: {  	[sflag:s11] =	ssyncadd.s32 $0xFFFFE000  }
0x20: {  	[tilespmem:s13], [sflag:$0x1] =	stream.linear.gather [hbm4b:s5+s2], $0x2000, $0x38;
	[tilespmem:$0x111C0] =	vst v63  }
0x21: {  	_ =	swait.ge [sflag:s11], $0x2000  }
0x22: {  	[sflag:s11] =	ssyncset.done $0x0  }
0x23: {  	[sflag:s11] =	ssyncadd.s32 $0xFFFFE000  }
0x24: {  	[tilespmem:s14], [sflag:$0x1] =	stream.linear.gather [hbm4b:s6+s2], $0x80, $0x38;
	[tilespmem:$0x111C0] =	vst v63  }
0x25: {  	_ =	swait.ge [sflag:s11], $0x80  }
0x26: {  	[sflag:s11] =	ssyncset.done $0x0  }
0x27: {  	[sflag:s11] =	ssyncadd.s32 $0xFFFFFF80  }
0x28: {  	[tilespmem:s15], [sflag:$0x1] =	stream.linear.gather [hbm4b:s7+s2], $0x80, $0x38;
	[tilespmem:$0x111C0] =	vst v63  }
0x29: {  	_ =	swait.ge [sflag:s11], $0x80  }
0x2a: {  	[sflag:s11] =	ssyncset.done $0x0  }
.Ltmp2:
0x2b: {  	[sflag:s11] =	ssyncadd.s32 $0xFFFFFF80;
	(pc) =	sbr.rel .LBB2_2-.Ltmp2, $4  }
0x2c: {  	[tilespmem:s16], [sflag:$0x1] =	stream.linear.gather [hbm4b:s8+s2], $0x80, $0x38;
	[tilespmem:$0x111C0] =	vst v63  }
0x2d: {  	_ =	swait.ge [sflag:s11], $0x80  }
0x2e: {  	[sflag:s11] =	ssyncset.done $0x0  }
0x2f: {  	s22 =	simm.s32 $0x0;
	[sflag:s11] =	ssyncadd.s32 $0xFFFFFF80  }
.LBB2_13:
0x30: {  	v13 =	vld [tilespmem:$0x71A0];
	_ =	sdelay $0x7  }
0x31: {  	v14 =	vld.idx.msk [tilespmem:v13+s2+$0x0], $0xffff  }
0x32: {  	v12 =	vshll.u32 v12, $0x8;
	v15 =	vld.idx.msk [tilespmem:v13+s12+$0x0], $0xffff  }
0x33: {  	v16 =	vor.u32 v1, v12;
	v13 =	vld.idx.msk [tilespmem:v13+s13+$0x0], $0xffff  }
0x34: {  	v17 =	vor.u32 v4, v12  }
0x35: {  	v18 =	vor.u32 v5, v12  }
0x36: {  	v14 =	vsub.f32 v14, v9  }
0x37: {  	v15 =	vsub.f32 v15, v10  }
0x38: {  	v13 =	vsub.f32 v13, v11;
	[tilespmem:v16+s20+$0x0] =	vst.idx.msk $0xffff, v14  }
0x39: {  	[tilespmem:v17+s20+$0x0] =	vst.idx.msk $0xffff, v15  }
0x3a: {  	[tilespmem:v18+s20+$0x0] =	vst.idx.msk $0xffff, v13  }
0x3b: {  	v13 =	vld [tilespmem:$0x71B0];
	_ =	sdelay $0x7  }
0x3c: {  	v14 =	vld.idx.msk [tilespmem:v13+s2+$0x0], $0xffff  }
0x3d: {  	v15 =	vld.idx.msk [tilespmem:v13+s12+$0x0], $0xffff  }
0x3e: {  	v62 =	vor.u32 v6, v12;
	v13 =	vld.idx.msk [tilespmem:v13+s13+$0x0], $0xffff  }
0x3f: {  	s22 =	sadd.s32 $0x1, s22;
	v63 =	vor.u32 v7, v12  }
0x40: {  	v12 =	vor.u32 v8, v12;
	p0 =	sne.s32 s22, $0x80  }
.Ltmp3:
0x41: {  	v9 =	vsub.f32 v14, v9;
	(pc) =	sbr.rel @!p0 .LBB2_14-.Ltmp3, $4  }
0x42: {  	v10 =	vsub.f32 v15, v10  }
0x43: {  	v11 =	vsub.f32 v13, v11;
	[tilespmem:v62+s20+$0x0] =	vst.idx.msk $0xffff, v9  }
0x44: {  	[tilespmem:v63+s20+$0x0] =	vst.idx.msk $0xffff, v10  }
0x45: {  	[tilespmem:v12+s20+$0x0] =	vst.idx.msk $0xffff, v11  }
.LBB2_2:
0x46: {  	s24 =	simm.s32 $0x0  }
0x47: {  	v12 =	vmov s22;
	v13 =	vld [tilespmem:s24+$0x0]  }
0x48: {  	v14 =	vld [tilespmem:s24+$0x2000]  }
0x49: {  	v15 =	vld [tilespmem:s24+$0x10]  }
0x4a: {  	v16 =	vld [tilespmem:s24+$0x4000]  }
0x4b: {  	v17 =	vld [tilespmem:s24+$0x2010]  }
0x4c: {  	v9 =	vld.idx.msk [tilespmem:v12+s14+$0x0], $0xffff  }
0x4d: {  	v10 =	vld.idx.msk [tilespmem:v12+s15+$0x0], $0xffff  }
0x4e: {  	v11 =	vld.idx.msk [tilespmem:v12+s16+$0x0], $0xffff  }
0x4f: {  	s23 =	simm.s32 $0x20;
	v18 =	vld [tilespmem:s24+$0x4010]  }
0x50: {  	v19 =	vld [tilespmem:s23+$0x0]  }
0x51: {  	v20 =	vld [tilespmem:s23+$0x2000]  }
0x52: {  	v21 =	vld [tilespmem:s23+$0x10];
	v13 =	vsub.f32 v9, v13;
	v14 =	vsub.f32 v10, v14  }
0x53: {  	v23 =	vld [tilespmem:s23+$0x4000];
	v16 =	vsub.f32 v11, v16  }
0x54: {  	v24 =	vld [tilespmem:s23+$0x2010];
	v15 =	vsub.f32 v9, v15;
	v22 =	vmul.f32 v13, v13;
	v14 =	vmul.f32 v14, v14  }
0x55: {  	v26 =	vld [tilespmem:s23+$0x4010];
	v17 =	vsub.f32 v10, v17;
	v18 =	vsub.f32 v11, v18  }
0x56: {  	v19 =	vsub.f32 v9, v19;
	v16 =	vmul.f32 v16, v16;
	v14 =	vadd.f32 v14, v22  }
0x57: {  	s25 =	simm.s32 $0x40;
	v20 =	vsub.f32 v10, v20;
	v17 =	vmul.f32 v17, v17;
	v22 =	vmul.f32 v15, v15  }
0x58: {  	v23 =	vsub.f32 v11, v23;
	v27 =	vmul.f32 v18, v18;
	v15 =	vld [tilespmem:s25+$0x0];
	v14 =	vadd.f32 v16, v14  }
0x59: {  	v28 =	vmul.f32 v19, v19;
	v19 =	vsub.f32 v9, v21;
	v16 =	vld [tilespmem:s25+$0x2000];
	v21 =	vadd.f32 v17, v22  }
0x5a: {  	v25 =	vsub.f32 v10, v24;
	v24 =	vsub.f32 v11, v26;
	v17 =	vld [tilespmem:s25+$0x10];
	v22 =	vmul.f32 v20, v20;
	[tilespmem:s24+$0xF1C0] =	vst v14  }
0x5b: {  	v13 =	vimm.f32 $+Inf;
	v20 =	vmul.f32 v19, v19;
	v19 =	vadd.f32 v27, v21;
	v18 =	vld [tilespmem:s25+$0x4000]  }
0x5c: {  	s26 =	simm.s32 $0x180;
	v23 =	vmul.f32 v23, v23;
	v14 =	vmin.f32 v13, v14;
	v22 =	vadd.f32 v22, v28;
	v21 =	vld [tilespmem:s25+$0x2010]  }
.LBB2_3:
0x5d: {  	s28 =	sshra.s32 s26, $0x2;
	p0 =	sne.s32 s26, $0x7F80;
	s26 =	sadd.s32 $0x80, s26;
	v26 =	vsub.f32 v9, v15;
	v27 =	vld [tilespmem:s25+$0x4010];
	v25 =	vmul.f32 v25, v25;
	[tilespmem:s24+$0xF1D0] =	vst v19;
	v13 =	vmin.f32 v13, v19  }
.Ltmp4:
0x5e: {  	s24 =	smov.u32 s23;
	s23 =	smov.u32 s25;
	v15 =	vld [tilespmem:s28+$0x0];
	v19 =	vsub.f32 v10, v16;
	v22 =	vadd.f32 v23, v22;
	v23 =	vmul.f32 v24, v24;
	(pc) =	sbr.rel @p0 .LBB2_3-.Ltmp4, $4  }
0x5f: {  	s25 =	smov.u32 s28;
	v16 =	vld [tilespmem:s28+$0x2000];
	v24 =	vmul.f32 v26, v26;
	v26 =	vsub.f32 v9, v17;
	v28 =	vadd.f32 v25, v20  }
0x60: {  	v17 =	vld [tilespmem:s25+$0x10];
	v29 =	vsub.f32 v11, v18;
	v30 =	vmul.f32 v19, v19;
	[tilespmem:s24+$0xF1C0] =	vst v22;
	v14 =	vmin.f32 v14, v22  }
0x61: {  	v18 =	vld [tilespmem:s25+$0x4000];
	v25 =	vsub.f32 v10, v21;
	v20 =	vmul.f32 v26, v26;
	v19 =	vadd.f32 v23, v28  }
0x62: {  	v21 =	vld [tilespmem:s25+$0x2010];
	v22 =	vadd.f32 v30, v24;
	v23 =	vmul.f32 v29, v29;
	v24 =	vsub.f32 v11, v27  }
0x63: {  	_ = 	snop  }
0x64: {  	v26 =	vld [tilespmem:s25+$0x4010];
	_ =	sdelay $0x1  }
0x65: {  	v15 =	vsub.f32 v9, v15;
	v16 =	vsub.f32 v10, v16  }
0x66: {  	v25 =	vmul.f32 v25, v25;
	v17 =	vsub.f32 v9, v17;
	v21 =	vsub.f32 v10, v21  }
0x67: {  	v15 =	vmul.f32 v15, v15;
	v18 =	vsub.f32 v11, v18;
	v16 =	vmul.f32 v16, v16  }
0x68: {  	v17 =	vmul.f32 v17, v17;
	v26 =	vsub.f32 v11, v26;
	v21 =	vmul.f32 v21, v21  }
0x69: {  	v24 =	vmul.f32 v24, v24;
	v20 =	vadd.f32 v25, v20;
	v15 =	vadd.f32 v16, v15  }
0x6a: {  	v59 =	vmul.f32 v18, v18;
	v60 =	vmul.f32 v26, v26;
	v17 =	vadd.f32 v21, v17  }
0x6b: {  	v61 =	vadd.f32 v23, v22;
	v20 =	vadd.f32 v24, v20  }
0x6c: {  	v13 =	vmin.f32 v13, v19;
	v15 =	vadd.f32 v59, v15;
	v62 =	vadd.f32 v60, v17  }
0x6d: {  	v14 =	vmin.f32 v14, v61;
	v13 =	vmin.f32 v13, v20  }
0x6e: {  	v14 =	vmin.f32 v14, v15;
	v13 =	vmin.f32 v13, v62  }
0x6f: {  	[tilespmem:s24+$0xF1D0] =	vst v19;
	v13 =	vmax.f32 v14, v13  }
0x70: {  	[tilespmem:s23+$0xF1C0] =	vst v61;
	(xrf0) =	vmax.scan.msk.f32 $0xffff, v13  }
0x71: {  	[tilespmem:s23+$0xF1D0] =	vst v20  }
0x72: {  	[tilespmem:s25+$0xF1C0] =	vst v15  }
0x73: {  	s31 =	simm.s32 $0xF1C0;
	[tilespmem:s25+$0xF1D0] =	vst v62  }
0x74: {  	v13 =	vld [tilespmem:s31+$0x0];
	_ =	sdelay $0x1  }
0x75: {  	v14, _, _ =	vpop (xrf0)  }
0x76: {  	v14 =	vbroadcast v14, $0xF;
	_ =	sdelay $0x1  }
0x77: {  	vm0 =	vle.f32 v13, v14  }
0x78: {  	v15 =	vsel vm0, $0x1, v2  }
0x79: {  	(xrf0) =	vadd.scan.msk.s32 $0xffff, v15;
	_ =	sdelay $0x1  }
0x7a: {  	s24 =	simm.s32 $0x0  }
0x7b: {  	v15 =	vmov s24  }
0x7c: {  	v15 =	vadd.s32 $0xFFFFFFFF, v15  }
0x7d: {  	v15 =	vbroadcast v15, $0x0  }
0x7e: {  	v63, _, _ =	vpop (xrf0)  }
0x7f: {  	v15 =	vadd.s32 v63, v15;
	(v2sf) =	vpush v63, $0xF  }
0x80: {  	vm1 =	vlt.s32 v15, $0x7FF  }
0x81: {  	v15 =	vnsel vm1, $0x7FF, v15;
	_ =	sdelay $0x4  }
0x82: {  	[tilespmem:v15+s17+$0x0] =	vst.idx.msk vm0, v13;
	v13 =	vor.u32 s24, v0  }
0x83: {  	s25 =	simm.s32 $0xF1D0;
	[tilespmem:v15+s18+$0x0] =	vst.idx.msk vm0, v13  }
0x84: {  	s26 =	simm.s32 $0x20;
	s23 =	simm.s32 $0x10;
	v13 =	vld [tilespmem:s25+$0x0]  }
.LBB2_5:
0x85: {  	p0 =	sne.s32 s26, $0x1FF0;
	_ =	sdelay $0x3  }
0x86: {  	vm0 =	vle.f32 v13, v14  }
0x87: {  	v15 =	vsel vm0, $0x1, v2;
	s28 =	spop (v2sf)  }
0x88: {  	(xrf0) =	vadd.scan.msk.s32 $0xffff, v15;
	s24 =	sadd.s32 s24, s28  }
0x89: {  	v15 =	vmov s24  }
0x8a: {  	v15 =	vadd.s32 $0xFFFFFFFF, v15  }
0x8b: {  	v15 =	vbroadcast v15, $0x0;
	_ =	sdelay $0x2  }
0x8c: {  	v16, _, _ =	vpop (xrf0)  }
0x8d: {  	v15 =	vadd.s32 v16, v15;
	(v2sf) =	vpush v16, $0xF  }
0x8e: {  	vm1 =	vlt.s32 v15, $0x7FF  }
0x8f: {  	v15 =	vnsel vm1, $0x7FF, v15;
	_ =	sdelay $0x2  }
.Ltmp5:
0x90: {  	(pc) =	sbr.rel @p0 .LBB2_5-.Ltmp5, $4  }
0x91: {  	_ = 	snop  }
0x92: {  	[tilespmem:v15+s17+$0x0] =	vst.idx.msk vm0, v13;
	v13 =	vor.u32 s23, v0;
	s23 =	smov.u32 s26  }
0x93: {  	s25 =	sadd.s32 $0x10, s25;
	[tilespmem:v15+s18+$0x0] =	vst.idx.msk vm0, v13  }
0x94: {  	s26 =	sadd.s32 $0x10, s26;
	v13 =	vld [tilespmem:s25+$0x0]  }
0x95: {  	_ =	sdelay $0x3  }
0x96: {  	vm0 =	vle.f32 v13, v14  }
0x97: {  	v14 =	vsel vm0, $0x1, v2  }
0x98: {  	(xrf0) =	vadd.scan.msk.s32 $0xffff, v14;
	_ =	sdelay $0x5  }
0x99: {  	v14, _, _ =	vpop (xrf0)  }
0x9a: {  	(v2sf) =	vpush v14, $0xF;
	_ =	sdelay $0xa  }
0x9b: {  	s25 =	spop (v2sf)  }
0x9c: {  	s24 =	sadd.s32 s24, s25  }
0x9d: {  	v15 =	vmov s24  }
0x9e: {  	v15 =	vadd.s32 $0xFFFFFFFF, v15  }
0x9f: {  	v15 =	vbroadcast v15, $0x0;
	s28 =	spop (v2sf)  }
0xa0: {  	s24 =	sadd.s32 s24, s28  }
0xa1: {  	v14 =	vadd.s32 v14, v15;
	p0 =	slt.s32 s24, $0x7F0  }
0xa2: {  	vm1 =	vlt.s32 v14, $0x7FF;
	p1 =	slt.s32 s24, $0xFFFFFFF2;
	s24 =	simm.s32 @!p0 $0x7F0  }
0xa3: {  	v14 =	vnsel vm1, $0x7FF, v14;
	s29 =	sadd.s32 $0xF, s24  }
0xa4: {  	s26 =	sand.u32 $0xF, s29  }
0xa5: {  	v15 =	vadd.s32 s24, v0;
	s30 =	sshra.s32 s29, $0x1F;
	p6 =	sne.s32 s26, $0x0  }
.Ltmp6:
0xa6: {  	s24 =	sshrl.u32 s30, $0x1C;
	p0 =	por !p1, !p6;
	(pc) =	sbr.rel .LBB2_7-.Ltmp6, $4  }
0xa7: {  	s25 =	simm.s32 $0x1;
	s24 =	sadd.s32 s24, s29;
	p0 =	por !p0, !p0  }
0xa8: {  	[tilespmem:v14+s17+$0x0] =	vst.idx.msk vm0, v13;
	v13 =	vor.u32 s23, v0;
	s31 =	sshra.s32 s24, $0x4;
	s25 =	simm.s32 @!p0 $0x0  }
0xa9: {  	[tilespmem:v14+s18+$0x0] =	vst.idx.msk vm0, v13;
	s23 =	ssub.s32 s31, s25  }
0xaa: {  	s24 =	simm.s32 $0x0;
	[tilespmem:v15+s17+$0x0] =	vst.idx.msk $0xffff, v3;
	s25 =	simm.s32 $0x0;
	p0 =	slt.s32 s23, $0x1  }
.LBB2_8:
0xab: {  	v14 =	vimm.s32 $0xC0000000  }
.LBB2_12:
0xac: {  	(xrf0) =	vmin.scan.msk.f32 $0xffff, v13;
	_ =	sdelay $0x5  }
0xad: {  	v15, _, _ =	vpop (xrf0)  }
0xae: {  	v15 =	vbroadcast v15, $0xF;
	_ =	sdelay $0x1  }
0xaf: {  	vm0 =	veq.f32 v13, v15  }
0xb0: {  	v13 =	vnsel vm0, $0xC0000000, v14  }
0xb1: {  	(xrf0) =	vmin.scan.msk.u32 $0xffff, v13;
	_ =	sdelay $0x5  }
0xb2: {  	v13, _, _ =	vpop (xrf0)  }
0xb3: {  	(v2sf) =	vpush v13, $0xF;
	_ =	sdelay $0xe  }
0xb4: {  	s26 =	spop (v2sf)  }
0xb5: {  	s26 =	sxor.u32 $0x80000000, s26  }
0xb6: {  	v13 =	vmov s26;
	_ =	sdelay $0x3  }
0xb7: {  	v15 =	vmov s25;
	s25 =	sadd.s32 $0x1, s25  }
0xb8: {  	p1 =	sne.s32 s25, $0x20;
	v14 =	vld.idx.msk [tilespmem:v13+s18+$0x0], $0xffff  }
.Ltmp7:
0xb9: {  	_ = 	snop;
	(pc) =	sbr.rel @!p1 .LBB2_13-.Ltmp7, $3  }
0xba: {  	_ =	sdelay $0x1  }
0xbb: {  	[tilespmem:v13+s17+$0x0] =	vst.idx.msk $0x1, v3  }
0xbc: {  	[tilespmem:v15+s19+$0x0] =	vst.idx.msk $0x1, v14  }
.LBB2_7:
.Ltmp8:
0xbd: {  	(pc) =	sbr.rel @p0 .LBB2_8-.Ltmp8, $2  }
0xbe: {  	_ =	sdelay $0x2  }
0xbf: {  	v13 =	vimm.f32 $+Inf  }
0xc0: {  	s26 =	simm.s32 $0x6180  }
0xc1: {  	p1 =	sne.s32 s23, $0x1;
	v14 =	vld [tilespmem:s26+$0x0]  }
.Ltmp9:
0xc2: {  	_ = 	snop;
	(pc) =	sbr.rel @!p1 .LBB2_11-.Ltmp9, $2  }
0xc3: {  	_ =	sdelay $0x2  }
0xc4: {  	v15 =	vimm.s32 $0x40000000;
	v16 =	vor.u32 s24, v0;
	s28 =	simm.s32 $0x6190;
	s29 =	simm.s32 $0x0;
	s26 =	sadd.s32 $0xFFFFFFFF, s23;
	vm0 =	vlt.f32 v14, v13  }
.LBB2_10:
0xc5: {  	p1 =	sne.s32 s26, $0x1;
	s26 =	sadd.s32 $0xFFFFFFFF, s26;
	v13 =	vsel vm0, v14, v13;
	v14 =	vld [tilespmem:s28+$0x0];
	v15 =	vsel vm0, v16, v15  }
.Ltmp10:
0xc6: {  	(pc) =	sbr.rel @p1 .LBB2_10-.Ltmp10, $3  }
0xc7: {  	_ =	sdelay $0x1  }
0xc8: {  	s29 =	sadd.s32 $0x10, s29  }
0xc9: {  	s28 =	sadd.s32 $0x10, s28;
	v16 =	vor.u32 s29, v0;
	vm0 =	vlt.f32 v14, v13  }
.LBB2_11:
.Ltmp11:
0xca: {  	(pc) =	sbr.rel .LBB2_12-.Ltmp11, $3  }
0xcb: {  	_ =	sdelay $0x1  }
0xcc: {  	v15 =	vsel vm0, v16, v15  }
0xcd: {  	v13 =	vsel vm0, v14, v13;
	v14 =	vxor.u32 $0x80000000, v15  }
.LBB2_15:
0xce: {  	_ =	sfence.sel $0x180000  }
0xcf: {  	[bflag:$0x0] =	sbarrier.arrive $0xFFFF  }
0xd0: {  	p0 =	sne.s32 s1, $0x0;
	_ =	strace $0x9000004A  }
0xd1: {  	s0 =	sadd.s32 @!p0 $0x100000, s0;
	[bflag:$0x2] =	sbarrier.arrive $0xFFFF  }
0xd2: {  	[sflag:s0] =	ssyncadd.tile.s32 @!p0 $0x1;
	_ =	shalt  }
.Lfunc_end2:
_tile_overlayer_lowered:
.L_overlay_start_2:
0xd3: {  	(tag) =	ssettag $0x2  }
0xd4: {  	s0 =	rddreg [dreg:$0x0];
	s2 =	stileid.u32  }
0xd5: {  	s1 =	rddreg [dreg:$0x1];
	p0 =	sne.s32 s2, $0x0  }
0xd6: {  	s3 =	rddreg [dreg:$0x2];
	[bflag:$0x3] =	sbarrier.arrive $0xFFFF;
	s2 =	simm.s32 @!p0 $0x1C01  }
0xd7: {  	[timem:s3], [sflag:s2] =	dma.local @!p0 [hbm:s0], s1  }
0xd8: {  	s0 =	simm.s32 @!p0 $0x1  }
0xd9: {  	_ =	swait.ge @!p0 [sflag:s0], s1  }
0xda: {  	s1 =	ssub.s32 @!p0 $0x0, s1;
	[sflag:s0] =	ssyncset.done @!p0 $0x0  }
0xdb: {  	[sflag:s0] =	ssyncadd.s32 @!p0 s1  }
0xdc: {  	[bflag:$0x3] =	sbarrier.arrive $0xFFFF  }
0xdd: {  	_ =	shalt  }

</sc_bundles>
